<compile_context>
chip_gen: v7x
topology: tpu7x:2x2x1
jax: 0.10.2.dev20260603
libtpu: 0.0.44.dev20260713+nightly
codegen_flags: <defaults>
</compile_context>

<pallas_src>
import functools

import jax
import jax.numpy as jnp
from jax import lax
from jax.experimental import pallas as pl
from jax.experimental.pallas import tpu as pltpu
from jax.experimental.pallas import tpu_sc as plsc

N_NODES = 10000
N_EDGES = 320000
D_NODE = 142
D_HID = 128
NUM_GRAPHS = 25
NUM_ENC = 10

SC_CORES = 2
SC_TILES = 16
N_WORKERS = SC_CORES * SC_TILES
EDGES_PER_WORKER = N_EDGES // N_WORKERS
CHUNK = 40
N_CHUNKS = EDGES_PER_WORKER // CHUNK
IDXB = 50
N_BATCH = N_CHUNKS // IDXB
ROWS_PER_TILE = 624


def _node_proj_body(a_ref, w_ref, o_ref):
    o_ref[...] = jnp.dot(a_ref[...], w_ref[...],
                         preferred_element_type=jnp.float32)


def _node_proj(atom, w_top):
    blk = 2000
    return pl.pallas_call(
        _node_proj_body,
        grid=(N_NODES // blk,),
        in_specs=[
            pl.BlockSpec((blk, D_NODE), lambda i: (i, 0)),
            pl.BlockSpec((D_NODE, D_HID), lambda i: (0, 0)),
        ],
        out_specs=pl.BlockSpec((blk, D_HID), lambda i: (i, 0)),
        out_shape=jax.ShapeDtypeStruct((N_NODES, D_HID), jnp.float32),
    )(atom, w_top)


_TWO_OVER_PI = 0.6366197723675814
_PIO2_HI = 1.570800781250
_PIO2_LO = -4.454455103380768e-06


def _sincos(x):
    k = jnp.floor(x * _TWO_OVER_PI + 0.5)
    r = (x - k * _PIO2_HI) - k * _PIO2_LO
    ki = k.astype(jnp.int32)
    r2 = r * r
    sin_r = r * (1.0 + r2 * (-1.0 / 6.0 + r2 * (1.0 / 120.0
                                                + r2 * (-1.0 / 5040.0))))
    cos_r = 1.0 + r2 * (-0.5 + r2 * (1.0 / 24.0 + r2 * (-1.0 / 720.0
                                                        + r2 / 40320.0)))
    swap = (ki & 1) != 0
    s1 = jnp.where(swap, cos_r, sin_r)
    c1 = jnp.where(swap, sin_r, cos_r)
    s = jnp.where((ki & 2) != 0, -s1, s1)
    c = jnp.where(((ki + 1) & 2) != 0, -c1, c1)
    return s, c


def _edge_q_body(bond_ref, dist_ref, inv_ref, wb_ref, ws_ref, wc_ref, b_ref,
                 o_ref):
    x = inv_ref[...] * dist_ref[...]
    s, c = _sincos(x)
    acc = jnp.dot(bond_ref[...], wb_ref[...],
                  preferred_element_type=jnp.float32)
    acc = acc + lax.dot_general(s, ws_ref[...], (((0,), (0,)), ((), ())),
                                preferred_element_type=jnp.float32)
    acc = acc + lax.dot_general(c, wc_ref[...], (((0,), (0,)), ((), ())),
                                preferred_element_type=jnp.float32)
    o_ref[...] = acc + b_ref[...]


def _edge_q(bond, dist_row, inv_col, w_bond, w_sin, w_cos, b_msg2d):
    blk = 6400
    return pl.pallas_call(
        _edge_q_body,
        grid=(N_EDGES // blk,),
        in_specs=[
            pl.BlockSpec((blk, bond.shape[1]), lambda i: (i, 0)),
            pl.BlockSpec((1, blk), lambda i: (0, i)),
            pl.BlockSpec((NUM_ENC, 1), lambda i: (0, 0)),
            pl.BlockSpec((bond.shape[1], D_HID), lambda i: (0, 0)),
            pl.BlockSpec((NUM_ENC, D_HID), lambda i: (0, 0)),
            pl.BlockSpec((NUM_ENC, D_HID), lambda i: (0, 0)),
            pl.BlockSpec((1, D_HID), lambda i: (0, 0)),
        ],
        out_specs=pl.BlockSpec((blk, D_HID), lambda i: (i, 0)),
        out_shape=jax.ShapeDtypeStruct((N_EDGES, D_HID), jnp.float32),
    )(bond, dist_row, inv_col, w_bond, w_sin, w_cos, b_msg2d)


def _sc_aggregate(p, q, src2d, dst2d):
    mesh = plsc.VectorSubcoreMesh(core_axis_name="c", subcore_axis_name="s")

    @functools.partial(
        pl.kernel,
        out_type=jax.ShapeDtypeStruct((SC_CORES, N_NODES, D_HID), jnp.float32),
        mesh=mesh,
        scratch_types=[
            pltpu.VMEM((IDXB, CHUNK), jnp.int32),
            pltpu.VMEM((IDXB, CHUNK), jnp.int32),
            pltpu.VMEM((CHUNK, D_HID), jnp.float32),
            pltpu.VMEM((CHUNK, D_HID), jnp.float32),
            pltpu.VMEM((CHUNK, D_HID), jnp.float32),
            pltpu.VMEM((CHUNK, D_HID), jnp.float32),
            pltpu.VMEM_SHARED((N_NODES, D_HID), jnp.float32),
            pltpu.SemaphoreType.DMA,
            pltpu.SemaphoreType.DMA,
            pltpu.SemaphoreType.DMA,
            pltpu.SemaphoreType.DMA,
            pltpu.SemaphoreType.DMA,
        ],
    )
    def sc_kernel(p_hbm, q_hbm, src_hbm, dst_hbm, out_hbm,
                  src_v, dst_v, g_a, g_b, q_a, q_b, agg_sh,
                  sem_ga, sem_gb, sem_qa, sem_qb, sem_i):
        cid = lax.axis_index("c")
        sid = lax.axis_index("s")
        wid = cid * SC_TILES + sid
        base_w = wid * EDGES_PER_WORKER

        pltpu.async_copy(src_hbm.at[wid, 0], src_v, sem_i)
        pltpu.async_copy(dst_hbm.at[wid, 0], dst_v, sem_i)

        @pl.loop(0, CHUNK)
        def _(r):
            for j in range(D_HID // 16):
                g_a.at[pl.ds(r, 1), pl.ds(j * 16, 16)][...] = (
                    jnp.zeros((1, 16), jnp.float32))

        row0 = sid * ROWS_PER_TILE

        @pl.loop(0, ROWS_PER_TILE // CHUNK)
        def _(k):
            pltpu.sync_copy(g_a, agg_sh.at[pl.ds(row0 + k * CHUNK, CHUNK)])

        rem = ROWS_PER_TILE % CHUNK
        if rem:
            pltpu.sync_copy(
                g_a.at[pl.ds(0, rem)],
                agg_sh.at[pl.ds(row0 + (ROWS_PER_TILE // CHUNK) * CHUNK, rem)])

        tail0 = SC_TILES * ROWS_PER_TILE
        tail = N_NODES - tail0

        @pl.when(sid == SC_TILES - 1)
        def _():
            pltpu.sync_copy(g_a.at[pl.ds(0, tail)],
                            agg_sh.at[pl.ds(tail0, tail)])

        pltpu.make_async_copy(src_hbm.at[wid, 0], src_v, sem_i).wait()
        pltpu.make_async_copy(dst_hbm.at[wid, 0], dst_v, sem_i).wait()
        plsc.subcore_barrier()

        def issue(b, t, g_buf, q_buf, sem_g, sem_q):
            pltpu.async_copy(p_hbm.at[src_v.at[t]], g_buf, sem_g)
            pltpu.async_copy(
                q_hbm.at[pl.ds(base_w + (b * IDXB + t) * CHUNK, CHUNK)],
                q_buf, sem_q)

        def wait(b, t, g_buf, q_buf, sem_g, sem_q):
            pltpu.make_async_copy(p_hbm.at[src_v.at[t]], g_buf, sem_g).wait()
            pltpu.make_async_copy(
                q_hbm.at[pl.ds(base_w + (b * IDXB + t) * CHUNK, CHUNK)],
                q_buf, sem_q).wait()

        def process(t, g_buf, q_buf):
            @pl.loop(0, CHUNK)
            def _(r):
                for j in range(D_HID // 16):
                    slc = (pl.ds(r, 1), pl.ds(j * 16, 16))
                    g_buf.at[slc][...] = jnp.maximum(
                        g_buf.at[slc][...] + q_buf.at[slc][...], 0.0)

            pltpu.sync_copy(g_buf, agg_sh.at[dst_v.at[t]], add=True)

        @pl.loop(0, N_BATCH)
        def _(b):
            issue(b, 0, g_a, q_a, sem_ga, sem_qa)

            @pl.loop(0, IDXB // 2 - 1)
            def _(t2):
                ta = 2 * t2
                issue(b, ta + 1, g_b, q_b, sem_gb, sem_qb)
                wait(b, ta, g_a, q_a, sem_ga, sem_qa)
                process(ta, g_a, q_a)
                issue(b, ta + 2, g_a, q_a, sem_ga, sem_qa)
                wait(b, ta + 1, g_b, q_b, sem_gb, sem_qb)
                process(ta + 1, g_b, q_b)

            issue(b, IDXB - 1, g_b, q_b, sem_gb, sem_qb)
            wait(b, IDXB - 2, g_a, q_a, sem_ga, sem_qa)
            process(IDXB - 2, g_a, q_a)
            wait(b, IDXB - 1, g_b, q_b, sem_gb, sem_qb)
            process(IDXB - 1, g_b, q_b)

            @pl.when(b + 1 < N_BATCH)
            def _():
                pltpu.sync_copy(src_hbm.at[wid, b + 1], src_v)
                pltpu.sync_copy(dst_hbm.at[wid, b + 1], dst_v)

        plsc.subcore_barrier()

        pltpu.sync_copy(agg_sh.at[pl.ds(row0, ROWS_PER_TILE)],
                        out_hbm.at[cid].at[pl.ds(row0, ROWS_PER_TILE)])

        @pl.when(sid == SC_TILES - 1)
        def _():
            pltpu.sync_copy(agg_sh.at[pl.ds(tail0, tail)],
                            out_hbm.at[cid].at[pl.ds(tail0, tail)])

    return sc_kernel(p, q, src2d, dst2d)


def _head_body(a_ref, agg_ref, n2g_ref, wt_ref, wb_ref, bn_ref, wo_ref,
               bo_ref, o_ref):
    agg = agg_ref[0] + agg_ref[1]
    h = jnp.dot(a_ref[...], wt_ref[...],
                preferred_element_type=jnp.float32)
    h = h + jnp.dot(agg, wb_ref[...], preferred_element_type=jnp.float32)
    h = jax.nn.relu(h + bn_ref[...])
    gids = lax.broadcasted_iota(jnp.int32, (N_NODES, NUM_GRAPHS), 1)
    m = (n2g_ref[...] == gids).astype(jnp.float32)
    g_sum = lax.dot_general(m, h, (((0,), (0,)), ((), ())),
                            preferred_element_type=jnp.float32)
    ones = jnp.ones((N_NODES, 1), jnp.float32)
    g_cnt = lax.dot_general(m, ones, (((0,), (0,)), ((), ())),
                            preferred_element_type=jnp.float32)
    g_mean = g_sum / jnp.maximum(g_cnt, 1.0)
    h = h + jnp.dot(m, g_mean, preferred_element_type=jnp.float32)
    o_ref[...] = jax.nn.sigmoid(
        jnp.dot(h, wo_ref[...], preferred_element_type=jnp.float32)
        + bo_ref[...])


def _head(atom, agg2, n2g2d, w_top, w_bot, b_node2d, w_out, b_out2d):
    return pl.pallas_call(
        _head_body,
        out_shape=jax.ShapeDtypeStruct((N_NODES, 1), jnp.float32),
    )(atom, agg2, n2g2d, w_top, w_bot, b_node2d, w_out, b_out2d)


def kernel(atom_feature, edge_index, bond_feature, distance, b_factor,
           node2graph, W_msg, b_msg, W_node, b_node, W_out, b_out):
    src = edge_index[0]
    dst = edge_index[1]
    inv_scales = (1.0 / (2.0 ** jnp.arange(NUM_ENC, dtype=jnp.float32))
                  ).reshape(NUM_ENC, 1)

    d_raw = bond_feature.shape[1]
    p = _node_proj(atom_feature, W_msg[:D_NODE])
    q = _edge_q(bond_feature, distance.reshape(1, -1), inv_scales,
                W_msg[D_NODE:D_NODE + d_raw],
                W_msg[D_NODE + d_raw:D_NODE + d_raw + NUM_ENC],
                W_msg[D_NODE + d_raw + NUM_ENC:],
                b_msg.reshape(1, -1))
    agg2 = _sc_aggregate(p, q,
                         src.reshape(N_WORKERS, N_BATCH, IDXB, CHUNK),
                         dst.reshape(N_WORKERS, N_BATCH, IDXB, CHUNK))
    out = _head(atom_feature, agg2, node2graph.reshape(-1, 1),
                W_node[:D_NODE], W_node[D_NODE:], b_node.reshape(1, -1),
                W_out, b_out.reshape(1, 1))
    return out.reshape(-1), b_factor

# --- scband reference (transcript-rebuilt; emitter-appended) ---
"""Pipeline reference for scband-scoring-model-30288109371588 (READ-ONLY COPY).

The authoritative reference and input builder live on the scoring server;
editing this copy changes nothing except your own understanding.
"""

import jax, jax.numpy as jnp
import numpy as np

N_NODES = 10000
N_EDGES = 320000
D_NODE = 142
D_EDGE_RAW = 5
D_EDGE = 25
D_HID = 128
NUM_GRAPHS = 25
NUM_ENC = 10


def fourier_encode_dist(x, num_encodings=NUM_ENC):
    # matches fourier_encode_dist(..., include_self=False): [E] -> [E, 2*num_encodings]
    scales = 2.0 ** jnp.arange(num_encodings, dtype=jnp.float32)
    x = x[..., None] / scales
    return jnp.concatenate([jnp.sin(x), jnp.cos(x)], axis=-1)


def setup_inputs(seed: int = 0) -> dict:
    key = jax.random.key(seed)
    ks = jax.random.split(key, 12)
    atom_feature = jax.random.uniform(ks[0], (N_NODES, D_NODE), dtype=jnp.float32)
    edge_index = jax.random.randint(ks[1], (2, N_EDGES), 0, N_NODES, dtype=jnp.int64 if jax.config.jax_enable_x64 else jnp.int32).astype(jnp.int32)
    bond_feature = jax.random.uniform(ks[2], (N_EDGES, D_EDGE_RAW), dtype=jnp.float32)
    distance = jax.random.uniform(ks[3], (N_EDGES,), dtype=jnp.float32) * 10.0
    b_factor = jax.random.uniform(ks[4], (N_NODES,), dtype=jnp.float32)
    node2graph = jnp.sort(jax.random.randint(ks[5], (N_NODES,), 0, NUM_GRAPHS)).astype(jnp.int32)
    # learned params of GraphEmbeddingModel(142, 25, 0, 128, 0) + output Linear(128, 1)
    W_msg = jax.random.normal(ks[6], (D_NODE + D_EDGE, D_HID), dtype=jnp.float32) * 0.05
    b_msg = jnp.zeros((D_HID,), dtype=jnp.float32)
    W_node = jax.random.normal(ks[7], (D_NODE + D_HID, D_HID), dtype=jnp.float32) * 0.05
    b_node = jnp.zeros((D_HID,), dtype=jnp.float32)
    W_out = jax.random.normal(ks[8], (D_HID, 1), dtype=jnp.float32) * 0.05
    b_out = jnp.zeros((1,), dtype=jnp.float32)
    return {
        "atom_feature": atom_feature,
        "edge_index": edge_index,
        "bond_feature": bond_feature,
        "distance": distance,
        "b_factor": b_factor,
        "node2graph": node2graph,
        "W_msg": W_msg, "b_msg": b_msg,
        "W_node": W_node, "b_node": b_node,
        "W_out": W_out, "b_out": b_out,
    }


def reference(atom_feature, edge_index, bond_feature, distance, b_factor, node2graph,
              W_msg, b_msg, W_node, b_node, W_out, b_out):
    # edge features: raw bond features concat fourier-encoded distance -> [E, 25]
    dist_enc = fourier_encode_dist(distance)
    edge_feat = jnp.concatenate([bond_feature, dist_enc], axis=-1)
    src = edge_index[0]
    dst = edge_index[1]
    # message passing: gather src node features, build messages
    x_src = jnp.take(atom_feature, src, axis=0)            # gather [E, 142]
    msg_in = jnp.concatenate([x_src, edge_feat], axis=-1)   # [E, 167]
    msg = jax.nn.relu(msg_in @ W_msg + b_msg)               # [E, 128]
    agg = jax.ops.segment_sum(msg, dst, num_segments=N_NODES)  # scatter-add [N, 128]
    h = jax.nn.relu(jnp.concatenate([atom_feature, agg], axis=-1) @ W_node + b_node)  # [N, 128]
    # graph-level context (uses node2graph like the original embedding model)
    g_sum = jax.ops.segment_sum(h, node2graph, num_segments=NUM_GRAPHS)
    g_cnt = jax.ops.segment_sum(jnp.ones((N_NODES, 1), dtype=h.dtype), node2graph, num_segments=NUM_GRAPHS)
    g_mean = g_sum / jnp.maximum(g_cnt, 1.0)
    h = h + jnp.take(g_mean, node2graph, axis=0)
    # output head: Linear(128,1) + Sigmoid, squeeze
    out = jax.nn.sigmoid(h @ W_out + b_out).squeeze(-1)     # [N]
    labels = b_factor                                        # passthrough labels
    return (out, labels)

if __name__ == "__main__":
    import jax
    _d = setup_inputs()
    print(jax.jit(kernel)(*tuple(_d.values())))

</pallas_src>

<mosaic_0001>
#map = affine_map<(d0, d1) -> (0, 0)>
#map1 = affine_map<(d0, d1) -> (0, 0, 0, 0)>
#map2 = affine_map<(d0, d1) -> (0, 0, 0)>
module attributes {stable_mosaic.version = 14 : i64} {
  func.func @sc_kernel(%arg0: i32, %arg1: i32, %arg2: memref<10000x128xf32, #tpu.memory_space<hbm>>, %arg3: memref<320000x128xf32, #tpu.memory_space<hbm>>, %arg4: memref<32x5x50x40xi32, #tpu.memory_space<hbm>>, %arg5: memref<32x5x50x40xi32, #tpu.memory_space<hbm>>, %arg6: memref<2x10000x128xf32, #tpu.memory_space<hbm>>, %arg7: memref<50x40xi32, #tpu.memory_space<vmem>>, %arg8: memref<50x40xi32, #tpu.memory_space<vmem>>, %arg9: memref<40x128xf32, #tpu.memory_space<vmem>>, %arg10: memref<40x128xf32, #tpu.memory_space<vmem>>, %arg11: memref<40x128xf32, #tpu.memory_space<vmem>>, %arg12: memref<40x128xf32, #tpu.memory_space<vmem>>, %arg13: memref<10000x128xf32, #tpu.memory_space<vmem_shared>>, %arg14: memref<!tpu.dma_semaphore, #tpu.memory_space<semaphore_mem>>, %arg15: memref<!tpu.dma_semaphore, #tpu.memory_space<semaphore_mem>>, %arg16: memref<!tpu.dma_semaphore, #tpu.memory_space<semaphore_mem>>, %arg17: memref<!tpu.dma_semaphore, #tpu.memory_space<semaphore_mem>>, %arg18: memref<!tpu.dma_semaphore, #tpu.memory_space<semaphore_mem>>) attributes {dimension_semantics = [#tpu.dimension_semantics<core_parallel>, #tpu.dimension_semantics<subcore_parallel>], iteration_bounds = array<i64: 2, 16>, scalar_prefetch = 0 : i64, scratch_operands = 12 : i64, tpu.core_type = #tpu.core_type<sc_vector_subcore>, window_params = [{transform_indices = #map}, {transform_indices = #map}, {transform_indices = #map1}, {transform_indices = #map1}, {transform_indices = #map2}]} {
    %mul3A = arith.constant 16 : i32
    %mul3A_0 = arith.muli %arg0, %mul3A : i32
    %add3A = arith.addi %mul3A_0, %arg1 : i32
    %mul3A_1 = arith.constant 10000 : i32
    %mul3A_2 = arith.muli %add3A, %mul3A_1 : i32
    %dma_start3A = arith.constant 0 : i32
    %dma_start3A_3 = arith.constant 0 : i32
    %dma_start3A_4 = arith.constant 0 : i32
    %dma_start3A_5 = tpu.memref_slice %arg4[%add3A, %dma_start3A, %dma_start3A_3, %dma_start3A_4] : memref<32x5x50x40xi32, #tpu.memory_space<hbm>> -> memref<1x1x50x40xi32, #tpu.memory_space<hbm>>
    %dma_start3A_6 = tpu.memref_squeeze %dma_start3A_5 : memref<1x1x50x40xi32, #tpu.memory_space<hbm>> -> memref<50x40xi32, #tpu.memory_space<hbm>>
    %dma_start3A_7 = arith.constant 0 : i32
    %dma_start3A_8 = arith.constant 0 : i32
    %dma_start3A_9 = tpu.memref_slice %arg4[%add3A, %dma_start3A, %dma_start3A_7, %dma_start3A_8] : memref<32x5x50x40xi32, #tpu.memory_space<hbm>> -> memref<1x1x50x40xi32, #tpu.memory_space<hbm>>
    %dma_start3A_10 = tpu.memref_squeeze %dma_start3A_9 : memref<1x1x50x40xi32, #tpu.memory_space<hbm>> -> memref<50x40xi32, #tpu.memory_space<hbm>>
    tpu.enqueue_dma source(%dma_start3A_10 : memref<50x40xi32, #tpu.memory_space<hbm>>) target(%arg7 : memref<50x40xi32, #tpu.memory_space<vmem>>) target_semaphore(%arg18 : memref<!tpu.dma_semaphore, #tpu.memory_space<semaphore_mem>>)
    %dma_start3A_11 = arith.constant 0 : i32
    %dma_start3A_12 = arith.constant 0 : i32
    %dma_start3A_13 = arith.constant 0 : i32
    %dma_start3A_14 = tpu.memref_slice %arg5[%add3A, %dma_start3A_11, %dma_start3A_12, %dma_start3A_13] : memref<32x5x50x40xi32, #tpu.memory_space<hbm>> -> memref<1x1x50x40xi32, #tpu.memory_space<hbm>>
    %dma_start3A_15 = tpu.memref_squeeze %dma_start3A_14 : memref<1x1x50x40xi32, #tpu.memory_space<hbm>> -> memref<50x40xi32, #tpu.memory_space<hbm>>
    %dma_start3A_16 = arith.constant 0 : i32
    %dma_start3A_17 = arith.constant 0 : i32
    %dma_start3A_18 = tpu.memref_slice %arg5[%add3A, %dma_start3A_11, %dma_start3A_16, %dma_start3A_17] : memref<32x5x50x40xi32, #tpu.memory_space<hbm>> -> memref<1x1x50x40xi32, #tpu.memory_space<hbm>>
    %dma_start3A_19 = tpu.memref_squeeze %dma_start3A_18 : memref<1x1x50x40xi32, #tpu.memory_space<hbm>> -> memref<50x40xi32, #tpu.memory_space<hbm>>
    tpu.enqueue_dma source(%dma_start3A_19 : memref<50x40xi32, #tpu.memory_space<hbm>>) target(%arg8 : memref<50x40xi32, #tpu.memory_space<vmem>>) target_semaphore(%arg18 : memref<!tpu.dma_semaphore, #tpu.memory_space<semaphore_mem>>)
    %scan3A = arith.constant 0 : i32
    %scan3A_20 = arith.constant 40 : i32
    %scan3A_21 = arith.addi %scan3A, %scan3A_20 : i32
    %scan3A_22 = arith.constant 1 : i32
    scf.for %scan3A_63 = %scan3A to %scan3A_21 step %scan3A_22  : i32 {
      %mul3A_64 = arith.constant 1 : i32
      %mul3A_65 = arith.muli %scan3A_63, %mul3A_64 : i32
      %add3A_66 = arith.constant 0 : i32
      %add3A_67 = arith.addi %add3A_66, %mul3A_65 : i32
      %broadcast_in_dim3A = arith.constant 0.000000e+00 : f32
      %broadcast_in_dim3A_68 = vector.broadcast %broadcast_in_dim3A : f32 to vector<1x16xf32>
      %swap3A = arith.index_cast %add3A_67 : i32 to index
      %swap3A_69 = arith.constant 0 : index
      %swap3A_70 = tpu.vector_load %arg9[%swap3A, %swap3A_69] {strides = array<i32>} : memref<40x128xf32, #tpu.memory_space<vmem>>, vector<1x16xf32>,
      %swap3A_71 = vector.shape_cast %swap3A_70 : vector<1x16xf32> to vector<1x16xf32>
      %swap3A_72 = vector.shape_cast %broadcast_in_dim3A_68 : vector<1x16xf32> to vector<1x16xf32>
      tpu.vector_store %arg9[%swap3A, %swap3A_69], %swap3A_72 {strides = array<i32>} : memref<40x128xf32, #tpu.memory_space<vmem>>, vector<1x16xf32>,
      %broadcast_in_dim3A_73 = arith.constant 0.000000e+00 : f32
      %broadcast_in_dim3A_74 = vector.broadcast %broadcast_in_dim3A_73 : f32 to vector<1x16xf32>
      %swap3A_75 = arith.index_cast %add3A_67 : i32 to index
      %swap3A_76 = arith.constant 16 : index
      %swap3A_77 = tpu.vector_load %arg9[%swap3A_75, %swap3A_76] {strides = array<i32>} : memref<40x128xf32, #tpu.memory_space<vmem>>, vector<1x16xf32>,
      %swap3A_78 = vector.shape_cast %swap3A_77 : vector<1x16xf32> to vector<1x16xf32>
      %swap3A_79 = vector.shape_cast %broadcast_in_dim3A_74 : vector<1x16xf32> to vector<1x16xf32>
      tpu.vector_store %arg9[%swap3A_75, %swap3A_76], %swap3A_79 {strides = array<i32>} : memref<40x128xf32, #tpu.memory_space<vmem>>, vector<1x16xf32>,
      %broadcast_in_dim3A_80 = arith.constant 0.000000e+00 : f32
      %broadcast_in_dim3A_81 = vector.broadcast %broadcast_in_dim3A_80 : f32 to vector<1x16xf32>
      %swap3A_82 = arith.index_cast %add3A_67 : i32 to index
      %swap3A_83 = arith.constant 32 : index
      %swap3A_84 = tpu.vector_load %arg9[%swap3A_82, %swap3A_83] {strides = array<i32>} : memref<40x128xf32, #tpu.memory_space<vmem>>, vector<1x16xf32>,
      %swap3A_85 = vector.shape_cast %swap3A_84 : vector<1x16xf32> to vector<1x16xf32>
      %swap3A_86 = vector.shape_cast %broadcast_in_dim3A_81 : vector<1x16xf32> to vector<1x16xf32>
      tpu.vector_store %arg9[%swap3A_82, %swap3A_83], %swap3A_86 {strides = array<i32>} : memref<40x128xf32, #tpu.memory_space<vmem>>, vector<1x16xf32>,
      %broadcast_in_dim3A_87 = arith.constant 0.000000e+00 : f32
      %broadcast_in_dim3A_88 = vector.broadcast %broadcast_in_dim3A_87 : f32 to vector<1x16xf32>
      %swap3A_89 = arith.index_cast %add3A_67 : i32 to index
      %swap3A_90 = arith.constant 48 : index
      %swap3A_91 = tpu.vector_load %arg9[%swap3A_89, %swap3A_90] {strides = array<i32>} : memref<40x128xf32, #tpu.memory_space<vmem>>, vector<1x16xf32>,
      %swap3A_92 = vector.shape_cast %swap3A_91 : vector<1x16xf32> to vector<1x16xf32>
      %swap3A_93 = vector.shape_cast %broadcast_in_dim3A_88 : vector<1x16xf32> to vector<1x16xf32>
      tpu.vector_store %arg9[%swap3A_89, %swap3A_90], %swap3A_93 {strides = array<i32>} : memref<40x128xf32, #tpu.memory_space<vmem>>, vector<1x16xf32>,
      %broadcast_in_dim3A_94 = arith.constant 0.000000e+00 : f32
      %broadcast_in_dim3A_95 = vector.broadcast %broadcast_in_dim3A_94 : f32 to vector<1x16xf32>
      %swap3A_96 = arith.index_cast %add3A_67 : i32 to index
      %swap3A_97 = arith.constant 64 : index
      %swap3A_98 = tpu.vector_load %arg9[%swap3A_96, %swap3A_97] {strides = array<i32>} : memref<40x128xf32, #tpu.memory_space<vmem>>, vector<1x16xf32>,
      %swap3A_99 = vector.shape_cast %swap3A_98 : vector<1x16xf32> to vector<1x16xf32>
      %swap3A_100 = vector.shape_cast %broadcast_in_dim3A_95 : vector<1x16xf32> to vector<1x16xf32>
      tpu.vector_store %arg9[%swap3A_96, %swap3A_97], %swap3A_100 {strides = array<i32>} : memref<40x128xf32, #tpu.memory_space<vmem>>, vector<1x16xf32>,
      %broadcast_in_dim3A_101 = arith.constant 0.000000e+00 : f32
      %broadcast_in_dim3A_102 = vector.broadcast %broadcast_in_dim3A_101 : f32 to vector<1x16xf32>
      %swap3A_103 = arith.index_cast %add3A_67 : i32 to index
      %swap3A_104 = arith.constant 80 : index
      %swap3A_105 = tpu.vector_load %arg9[%swap3A_103, %swap3A_104] {strides = array<i32>} : memref<40x128xf32, #tpu.memory_space<vmem>>, vector<1x16xf32>,
      %swap3A_106 = vector.shape_cast %swap3A_105 : vector<1x16xf32> to vector<1x16xf32>
      %swap3A_107 = vector.shape_cast %broadcast_in_dim3A_102 : vector<1x16xf32> to vector<1x16xf32>
      tpu.vector_store %arg9[%swap3A_103, %swap3A_104], %swap3A_107 {strides = array<i32>} : memref<40x128xf32, #tpu.memory_space<vmem>>, vector<1x16xf32>,
      %broadcast_in_dim3A_108 = arith.constant 0.000000e+00 : f32
      %broadcast_in_dim3A_109 = vector.broadcast %broadcast_in_dim3A_108 : f32 to vector<1x16xf32>
      %swap3A_110 = arith.index_cast %add3A_67 : i32 to index
      %swap3A_111 = arith.constant 96 : index
      %swap3A_112 = tpu.vector_load %arg9[%swap3A_110, %swap3A_111] {strides = array<i32>} : memref<40x128xf32, #tpu.memory_space<vmem>>, vector<1x16xf32>,
      %swap3A_113 = vector.shape_cast %swap3A_112 : vector<1x16xf32> to vector<1x16xf32>
      %swap3A_114 = vector.shape_cast %broadcast_in_dim3A_109 : vector<1x16xf32> to vector<1x16xf32>
      tpu.vector_store %arg9[%swap3A_110, %swap3A_111], %swap3A_114 {strides = array<i32>} : memref<40x128xf32, #tpu.memory_space<vmem>>, vector<1x16xf32>,
      %broadcast_in_dim3A_115 = arith.constant 0.000000e+00 : f32
      %broadcast_in_dim3A_116 = vector.broadcast %broadcast_in_dim3A_115 : f32 to vector<1x16xf32>
      %swap3A_117 = arith.index_cast %add3A_67 : i32 to index
      %swap3A_118 = arith.constant 112 : index
      %swap3A_119 = tpu.vector_load %arg9[%swap3A_117, %swap3A_118] {strides = array<i32>} : memref<40x128xf32, #tpu.memory_space<vmem>>, vector<1x16xf32>,
      %swap3A_120 = vector.shape_cast %swap3A_119 : vector<1x16xf32> to vector<1x16xf32>
      %swap3A_121 = vector.shape_cast %broadcast_in_dim3A_116 : vector<1x16xf32> to vector<1x16xf32>
      tpu.vector_store %arg9[%swap3A_117, %swap3A_118], %swap3A_121 {strides = array<i32>} : memref<40x128xf32, #tpu.memory_space<vmem>>, vector<1x16xf32>,
    }
    %scan3A_23 = arith.constant 40 : i32
    %mul3A_24 = arith.constant 624 : i32
    %mul3A_25 = arith.muli %arg1, %mul3A_24 : i32
    %scan3A_26 = arith.constant 0 : i32
    %scan3A_27 = arith.constant 15 : i32
    %scan3A_28 = arith.addi %scan3A_26, %scan3A_27 : i32
    %scan3A_29 = arith.constant 1 : i32
    scf.for %scan3A_63 = %scan3A_26 to %scan3A_28 step %scan3A_29  : i32 {
      %mul3A_64 = arith.constant 1 : i32
      %mul3A_65 = arith.muli %scan3A_63, %mul3A_64 : i32
      %add3A_66 = arith.constant 0 : i32
      %add3A_67 = arith.addi %add3A_66, %mul3A_65 : i32
      %mul3A_68 = arith.constant 40 : i32
      %mul3A_69 = arith.muli %add3A_67, %mul3A_68 : i32
      %add3A_70 = arith.addi %mul3A_25, %mul3A_69 : i32
      "tpu.region"() ({
        %run_scoped3A = tpu.sem_alloc : memref<!tpu.dma_semaphore, #tpu.memory_space<semaphore_mem>>
        %dma_start3A_71 = arith.constant 0 : i32
        %dma_start3A_72 = tpu.memref_slice %arg13[%add3A_70, %dma_start3A_71] : memref<10000x128xf32, #tpu.memory_space<vmem_shared>> -> memref<40x128xf32, #tpu.memory_space<vmem_shared>>
        %dma_start3A_73 = arith.constant 0 : i32
        %dma_start3A_74 = tpu.memref_slice %arg13[%add3A_70, %dma_start3A_73] : memref<10000x128xf32, #tpu.memory_space<vmem_shared>> -> memref<40x128xf32, #tpu.memory_space<vmem_shared>>
        tpu.enqueue_dma source(%arg9 : memref<40x128xf32, #tpu.memory_space<vmem>>) target(%dma_start3A_74 : memref<40x128xf32, #tpu.memory_space<vmem_shared>>) target_semaphore(%run_scoped3A : memref<!tpu.dma_semaphore, #tpu.memory_space<semaphore_mem>>)
        %dma_wait3A_75 = arith.constant 0 : i32
        %dma_wait3A_76 = tpu.memref_slice %arg13[%add3A_70, %dma_wait3A_75] : memref<10000x128xf32, #tpu.memory_space<vmem_shared>> -> memref<40x128xf32, #tpu.memory_space<vmem_shared>>
        %dma_wait3A_77 = arith.constant 0 : i32
        %dma_wait3A_78 = tpu.memref_slice %arg13[%add3A_70, %dma_wait3A_77] : memref<10000x128xf32, #tpu.memory_space<vmem_shared>> -> memref<40x128xf32, #tpu.memory_space<vmem_shared>>
        tpu.wait_dma2 semaphore(%run_scoped3A : memref<!tpu.dma_semaphore, #tpu.memory_space<semaphore_mem>>) src(%arg9 : memref<40x128xf32, #tpu.memory_space<vmem>>) dst(%dma_wait3A_78 : memref<40x128xf32, #tpu.memory_space<vmem_shared>>)
        tpu.yield
      }) : () -> ()
    }
    %scan3A_30 = arith.constant 15 : i32
    %add3A_31 = arith.constant 600 : i32
    %add3A_32 = arith.addi %mul3A_25, %add3A_31 : i32
    "tpu.region"() ({
      %run_scoped3A = tpu.sem_alloc : memref<!tpu.dma_semaphore, #tpu.memory_space<semaphore_mem>>
      %dma_start3A_63 = arith.constant 0 : i32
      %dma_start3A_64 = arith.constant 0 : i32
      %dma_start3A_65 = tpu.memref_slice %arg9[%dma_start3A_63, %dma_start3A_64] : memref<40x128xf32, #tpu.memory_space<vmem>> -> memref<24x128xf32, #tpu.memory_space<vmem>>
      %dma_start3A_66 = arith.constant 0 : i32
      %dma_start3A_67 = tpu.memref_slice %arg13[%add3A_32, %dma_start3A_66] : memref<10000x128xf32, #tpu.memory_space<vmem_shared>> -> memref<24x128xf32, #tpu.memory_space<vmem_shared>>
      %dma_start3A_68 = arith.constant 0 : i32
      %dma_start3A_69 = tpu.memref_slice %arg13[%add3A_32, %dma_start3A_68] : memref<10000x128xf32, #tpu.memory_space<vmem_shared>> -> memref<24x128xf32, #tpu.memory_space<vmem_shared>>
      %dma_start3A_70 = arith.constant 0 : i32
      %dma_start3A_71 = arith.constant 0 : i32
      %dma_start3A_72 = tpu.memref_slice %arg9[%dma_start3A_70, %dma_start3A_71] : memref<40x128xf32, #tpu.memory_space<vmem>> -> memref<24x128xf32, #tpu.memory_space<vmem>>
      tpu.enqueue_dma source(%dma_start3A_72 : memref<24x128xf32, #tpu.memory_space<vmem>>) target(%dma_start3A_69 : memref<24x128xf32, #tpu.memory_space<vmem_shared>>) target_semaphore(%run_scoped3A : memref<!tpu.dma_semaphore, #tpu.memory_space<semaphore_mem>>)
      %dma_wait3A_73 = arith.constant 0 : i32
      %dma_wait3A_74 = arith.constant 0 : i32
      %dma_wait3A_75 = tpu.memref_slice %arg9[%dma_wait3A_73, %dma_wait3A_74] : memref<40x128xf32, #tpu.memory_space<vmem>> -> memref<24x128xf32, #tpu.memory_space<vmem>>
      %dma_wait3A_76 = arith.constant 0 : i32
      %dma_wait3A_77 = tpu.memref_slice %arg13[%add3A_32, %dma_wait3A_76] : memref<10000x128xf32, #tpu.memory_space<vmem_shared>> -> memref<24x128xf32, #tpu.memory_space<vmem_shared>>
      %dma_wait3A_78 = arith.constant 0 : i32
      %dma_wait3A_79 = tpu.memref_slice %arg13[%add3A_32, %dma_wait3A_78] : memref<10000x128xf32, #tpu.memory_space<vmem_shared>> -> memref<24x128xf32, #tpu.memory_space<vmem_shared>>
      %dma_wait3A_80 = arith.constant 0 : i32
      %dma_wait3A_81 = arith.constant 0 : i32
      %dma_wait3A_82 = tpu.memref_slice %arg9[%dma_wait3A_80, %dma_wait3A_81] : memref<40x128xf32, #tpu.memory_space<vmem>> -> memref<24x128xf32, #tpu.memory_space<vmem>>
      tpu.wait_dma2 semaphore(%run_scoped3A : memref<!tpu.dma_semaphore, #tpu.memory_space<semaphore_mem>>) src(%dma_wait3A_82 : memref<24x128xf32, #tpu.memory_space<vmem>>) dst(%dma_wait3A_79 : memref<24x128xf32, #tpu.memory_space<vmem_shared>>)
      tpu.yield
    }) : () -> ()
    %eq3A = arith.constant 15 : i32
    %eq3A_33 = arith.cmpi eq, %arg1, %eq3A : i32
    %convert_element_type3A = arith.extui %eq3A_33 : i1 to i32
    %cond3A = arith.constant 0 : i32
    %cond3A_34 = arith.cmpi ne, %convert_element_type3A, %cond3A : i32
    scf.if %cond3A_34 {
      "tpu.region"() ({
        %run_scoped3A = tpu.sem_alloc : memref<!tpu.dma_semaphore, #tpu.memory_space<semaphore_mem>>
        %dma_start3A_63 = arith.constant 0 : i32
        %dma_start3A_64 = arith.constant 0 : i32
        %dma_start3A_65 = tpu.memref_slice %arg9[%dma_start3A_63, %dma_start3A_64] : memref<40x128xf32, #tpu.memory_space<vmem>> -> memref<16x128xf32, #tpu.memory_space<vmem>>
        %dma_start3A_66 = arith.constant 9984 : i32
        %dma_start3A_67 = arith.constant 0 : i32
        %dma_start3A_68 = tpu.memref_slice %arg13[%dma_start3A_66, %dma_start3A_67] : memref<10000x128xf32, #tpu.memory_space<vmem_shared>> -> memref<16x128xf32, #tpu.memory_space<vmem_shared>>
        %dma_start3A_69 = arith.constant 9984 : i32
        %dma_start3A_70 = arith.constant 0 : i32
        %dma_start3A_71 = tpu.memref_slice %arg13[%dma_start3A_69, %dma_start3A_70] : memref<10000x128xf32, #tpu.memory_space<vmem_shared>> -> memref<16x128xf32, #tpu.memory_space<vmem_shared>>
        %dma_start3A_72 = arith.constant 0 : i32
        %dma_start3A_73 = arith.constant 0 : i32
        %dma_start3A_74 = tpu.memref_slice %arg9[%dma_start3A_72, %dma_start3A_73] : memref<40x128xf32, #tpu.memory_space<vmem>> -> memref<16x128xf32, #tpu.memory_space<vmem>>
        tpu.enqueue_dma source(%dma_start3A_74 : memref<16x128xf32, #tpu.memory_space<vmem>>) target(%dma_start3A_71 : memref<16x128xf32, #tpu.memory_space<vmem_shared>>) target_semaphore(%run_scoped3A : memref<!tpu.dma_semaphore, #tpu.memory_space<semaphore_mem>>)
        %dma_wait3A_75 = arith.constant 0 : i32
        %dma_wait3A_76 = arith.constant 0 : i32
        %dma_wait3A_77 = tpu.memref_slice %arg9[%dma_wait3A_75, %dma_wait3A_76] : memref<40x128xf32, #tpu.memory_space<vmem>> -> memref<16x128xf32, #tpu.memory_space<vmem>>
        %dma_wait3A_78 = arith.constant 9984 : i32
        %dma_wait3A_79 = arith.constant 0 : i32
        %dma_wait3A_80 = tpu.memref_slice %arg13[%dma_wait3A_78, %dma_wait3A_79] : memref<10000x128xf32, #tpu.memory_space<vmem_shared>> -> memref<16x128xf32, #tpu.memory_space<vmem_shared>>
        %dma_wait3A_81 = arith.constant 9984 : i32
        %dma_wait3A_82 = arith.constant 0 : i32
        %dma_wait3A_83 = tpu.memref_slice %arg13[%dma_wait3A_81, %dma_wait3A_82] : memref<10000x128xf32, #tpu.memory_space<vmem_shared>> -> memref<16x128xf32, #tpu.memory_space<vmem_shared>>
        %dma_wait3A_84 = arith.constant 0 : i32
        %dma_wait3A_85 = arith.constant 0 : i32
        %dma_wait3A_86 = tpu.memref_slice %arg9[%dma_wait3A_84, %dma_wait3A_85] : memref<40x128xf32, #tpu.memory_space<vmem>> -> memref<16x128xf32, #tpu.memory_space<vmem>>
        tpu.wait_dma2 semaphore(%run_scoped3A : memref<!tpu.dma_semaphore, #tpu.memory_space<semaphore_mem>>) src(%dma_wait3A_86 : memref<16x128xf32, #tpu.memory_space<vmem>>) dst(%dma_wait3A_83 : memref<16x128xf32, #tpu.memory_space<vmem_shared>>)
        tpu.yield
      }) : () -> ()
    } else {
    }
    %dma_wait3A = arith.constant 0 : i32
    %dma_wait3A_35 = arith.constant 0 : i32
    %dma_wait3A_36 = arith.constant 0 : i32
    %dma_wait3A_37 = tpu.memref_slice %arg4[%add3A, %dma_wait3A, %dma_wait3A_35, %dma_wait3A_36] : memref<32x5x50x40xi32, #tpu.memory_space<hbm>> -> memref<1x1x50x40xi32, #tpu.memory_space<hbm>>
    %dma_wait3A_38 = tpu.memref_squeeze %dma_wait3A_37 : memref<1x1x50x40xi32, #tpu.memory_space<hbm>> -> memref<50x40xi32, #tpu.memory_space<hbm>>
    %dma_wait3A_39 = arith.constant 0 : i32
    %dma_wait3A_40 = arith.constant 0 : i32
    %dma_wait3A_41 = tpu.memref_slice %arg4[%add3A, %dma_wait3A, %dma_wait3A_39, %dma_wait3A_40] : memref<32x5x50x40xi32, #tpu.memory_space<hbm>> -> memref<1x1x50x40xi32, #tpu.memory_space<hbm>>
    %dma_wait3A_42 = tpu.memref_squeeze %dma_wait3A_41 : memref<1x1x50x40xi32, #tpu.memory_space<hbm>> -> memref<50x40xi32, #tpu.memory_space<hbm>>
    tpu.wait_dma2 semaphore(%arg18 : memref<!tpu.dma_semaphore, #tpu.memory_space<semaphore_mem>>) src(%dma_wait3A_42 : memref<50x40xi32, #tpu.memory_space<hbm>>) dst(%arg7 : memref<50x40xi32, #tpu.memory_space<vmem>>)
    %dma_wait3A_43 = arith.constant 0 : i32
    %dma_wait3A_44 = arith.constant 0 : i32
    %dma_wait3A_45 = arith.constant 0 : i32
    %dma_wait3A_46 = tpu.memref_slice %arg5[%add3A, %dma_wait3A_43, %dma_wait3A_44, %dma_wait3A_45] : memref<32x5x50x40xi32, #tpu.memory_space<hbm>> -> memref<1x1x50x40xi32, #tpu.memory_space<hbm>>
    %dma_wait3A_47 = tpu.memref_squeeze %dma_wait3A_46 : memref<1x1x50x40xi32, #tpu.memory_space<hbm>> -> memref<50x40xi32, #tpu.memory_space<hbm>>
    %dma_wait3A_48 = arith.constant 0 : i32
    %dma_wait3A_49 = arith.constant 0 : i32
    %dma_wait3A_50 = tpu.memref_slice %arg5[%add3A, %dma_wait3A_43, %dma_wait3A_48, %dma_wait3A_49] : memref<32x5x50x40xi32, #tpu.memory_space<hbm>> -> memref<1x1x50x40xi32, #tpu.memory_space<hbm>>
    %dma_wait3A_51 = tpu.memref_squeeze %dma_wait3A_50 : memref<1x1x50x40xi32, #tpu.memory_space<hbm>> -> memref<50x40xi32, #tpu.memory_space<hbm>>
    tpu.wait_dma2 semaphore(%arg18 : memref<!tpu.dma_semaphore, #tpu.memory_space<semaphore_mem>>) src(%dma_wait3A_51 : memref<50x40xi32, #tpu.memory_space<hbm>>) dst(%arg8 : memref<50x40xi32, #tpu.memory_space<vmem>>)
    %barrier3A = arith.constant 0 : index
    tpu.barrier barrier_id(%barrier3A)
    %scan3A_52 = arith.constant 0 : i32
    %scan3A_53 = arith.constant 5 : i32
    %scan3A_54 = arith.addi %scan3A_52, %scan3A_53 : i32
    %scan3A_55 = arith.constant 1 : i32
    scf.for %scan3A_63 = %scan3A_52 to %scan3A_54 step %scan3A_55  : i32 {
      %mul3A_64 = arith.constant 1 : i32
      %mul3A_65 = arith.muli %scan3A_63, %mul3A_64 : i32
      %add3A_66 = arith.constant 0 : i32
      %add3A_67 = arith.addi %add3A_66, %mul3A_65 : i32
      %dma_start3A_68 = arith.constant 0 : i32
      %dma_start3A_69 = arith.constant 0 : i32
      %dma_start3A_70 = tpu.memref_slice %arg7[%dma_start3A_68, %dma_start3A_69] : memref<50x40xi32, #tpu.memory_space<vmem>> -> memref<1x40xi32, #tpu.memory_space<vmem>>
      %dma_start3A_71 = tpu.memref_squeeze %dma_start3A_70 : memref<1x40xi32, #tpu.memory_space<vmem>> -> memref<40xi32, #tpu.memory_space<vmem>>
      %dma_start3A_72 = arith.constant 0 : i32
      %dma_start3A_73 = arith.constant 0 : i32
      %dma_start3A_74 = tpu.memref_slice %arg2[%dma_start3A_72, %dma_start3A_73] : memref<10000x128xf32, #tpu.memory_space<hbm>> -> memref<10000x128xf32, #tpu.memory_space<hbm>>
      tpu.enqueue_indirect_dma source(%dma_start3A_74 : memref<10000x128xf32, #tpu.memory_space<hbm>>) target(%arg9 : memref<40x128xf32, #tpu.memory_space<vmem>>) offsets(%dma_start3A_71 : memref<40xi32, #tpu.memory_space<vmem>>) semaphore(%arg14 : memref<!tpu.dma_semaphore, #tpu.memory_space<semaphore_mem>>)
      %mul3A_75 = arith.constant 50 : i32
      %mul3A_76 = arith.muli %add3A_67, %mul3A_75 : i32
      %add3A_77 = arith.constant 0 : i32
      %add3A_78 = arith.addi %mul3A_76, %add3A_77 : i32
      %mul3A_79 = arith.constant 40 : i32
      %mul3A_80 = arith.muli %add3A_78, %mul3A_79 : i32
      %add3A_81 = arith.addi %mul3A_2, %mul3A_80 : i32
      %dma_start3A_82 = arith.constant 0 : i32
      %dma_start3A_83 = tpu.memref_slice %arg3[%add3A_81, %dma_start3A_82] : memref<320000x128xf32, #tpu.memory_space<hbm>> -> memref<40x128xf32, #tpu.memory_space<hbm>>
      %dma_start3A_84 = arith.constant 0 : i32
      %dma_start3A_85 = tpu.memref_slice %arg3[%add3A_81, %dma_start3A_84] : memref<320000x128xf32, #tpu.memory_space<hbm>> -> memref<40x128xf32, #tpu.memory_space<hbm>>
      tpu.enqueue_dma source(%dma_start3A_85 : memref<40x128xf32, #tpu.memory_space<hbm>>) target(%arg11 : memref<40x128xf32, #tpu.memory_space<vmem>>) target_semaphore(%arg16 : memref<!tpu.dma_semaphore, #tpu.memory_space<semaphore_mem>>)
      %scan3A_86 = arith.constant 0 : i32
      %scan3A_87 = arith.constant 24 : i32
      %scan3A_88 = arith.addi %scan3A_86, %scan3A_87 : i32
      %scan3A_89 = arith.constant 1 : i32
      scf.for %scan3A_162 = %scan3A_86 to %scan3A_88 step %scan3A_89  : i32 {
        %mul3A_163 = arith.constant 1 : i32
        %mul3A_164 = arith.muli %scan3A_162, %mul3A_163 : i32
        %add3A_165 = arith.constant 0 : i32
        %add3A_166 = arith.addi %add3A_165, %mul3A_164 : i32
        %mul3A_167 = arith.constant 2 : i32
        %mul3A_168 = arith.muli %mul3A_167, %add3A_166 : i32
        %add3A_169 = arith.constant 1 : i32
        %add3A_170 = arith.addi %mul3A_168, %add3A_169 : i32
        %dma_start3A_171 = arith.constant 0 : i32
        %dma_start3A_172 = tpu.memref_slice %arg7[%add3A_170, %dma_start3A_171] : memref<50x40xi32, #tpu.memory_space<vmem>> -> memref<1x40xi32, #tpu.memory_space<vmem>>
        %dma_start3A_173 = tpu.memref_squeeze %dma_start3A_172 : memref<1x40xi32, #tpu.memory_space<vmem>> -> memref<40xi32, #tpu.memory_space<vmem>>
        %dma_start3A_174 = arith.constant 0 : i32
        %dma_start3A_175 = arith.constant 0 : i32
        %dma_start3A_176 = tpu.memref_slice %arg2[%dma_start3A_174, %dma_start3A_175] : memref<10000x128xf32, #tpu.memory_space<hbm>> -> memref<10000x128xf32, #tpu.memory_space<hbm>>
        tpu.enqueue_indirect_dma source(%dma_start3A_176 : memref<10000x128xf32, #tpu.memory_space<hbm>>) target(%arg10 : memref<40x128xf32, #tpu.memory_space<vmem>>) offsets(%dma_start3A_173 : memref<40xi32, #tpu.memory_space<vmem>>) semaphore(%arg15 : memref<!tpu.dma_semaphore, #tpu.memory_space<semaphore_mem>>)
        %mul3A_177 = arith.constant 50 : i32
        %mul3A_178 = arith.muli %add3A_67, %mul3A_177 : i32
        %add3A_179 = arith.addi %mul3A_178, %add3A_170 : i32
        %mul3A_180 = arith.constant 40 : i32
        %mul3A_181 = arith.muli %add3A_179, %mul3A_180 : i32
        %add3A_182 = arith.addi %mul3A_2, %mul3A_181 : i32
        %dma_start3A_183 = arith.constant 0 : i32
        %dma_start3A_184 = tpu.memref_slice %arg3[%add3A_182, %dma_start3A_183] : memref<320000x128xf32, #tpu.memory_space<hbm>> -> memref<40x128xf32, #tpu.memory_space<hbm>>
        %dma_start3A_185 = arith.constant 0 : i32
        %dma_start3A_186 = tpu.memref_slice %arg3[%add3A_182, %dma_start3A_185] : memref<320000x128xf32, #tpu.memory_space<hbm>> -> memref<40x128xf32, #tpu.memory_space<hbm>>
        tpu.enqueue_dma source(%dma_start3A_186 : memref<40x128xf32, #tpu.memory_space<hbm>>) target(%arg12 : memref<40x128xf32, #tpu.memory_space<vmem>>) target_semaphore(%arg17 : memref<!tpu.dma_semaphore, #tpu.memory_space<semaphore_mem>>)
        %dma_wait3A_187 = arith.constant 0 : i32
        %dma_wait3A_188 = tpu.memref_slice %arg7[%mul3A_168, %dma_wait3A_187] : memref<50x40xi32, #tpu.memory_space<vmem>> -> memref<1x40xi32, #tpu.memory_space<vmem>>
        %dma_wait3A_189 = tpu.memref_squeeze %dma_wait3A_188 : memref<1x40xi32, #tpu.memory_space<vmem>> -> memref<40xi32, #tpu.memory_space<vmem>>
        %dma_wait3A_190 = arith.constant 0 : i32
        %dma_wait3A_191 = arith.constant 0 : i32
        %dma_wait3A_192 = tpu.memref_slice %arg2[%dma_wait3A_190, %dma_wait3A_191] : memref<10000x128xf32, #tpu.memory_space<hbm>> -> memref<10000x128xf32, #tpu.memory_space<hbm>>
        tpu.wait_indirect_dma semaphore(%arg14 : memref<!tpu.dma_semaphore, #tpu.memory_space<semaphore_mem>>) src(%dma_wait3A_192 : memref<10000x128xf32, #tpu.memory_space<hbm>>) dst(%arg9 : memref<40x128xf32, #tpu.memory_space<vmem>>)
        %mul3A_193 = arith.constant 50 : i32
        %mul3A_194 = arith.muli %add3A_67, %mul3A_193 : i32
        %add3A_195 = arith.addi %mul3A_194, %mul3A_168 : i32
        %mul3A_196 = arith.constant 40 : i32
        %mul3A_197 = arith.muli %add3A_195, %mul3A_196 : i32
        %add3A_198 = arith.addi %mul3A_2, %mul3A_197 : i32
        %dma_wait3A_199 = arith.constant 0 : i32
        %dma_wait3A_200 = tpu.memref_slice %arg3[%add3A_198, %dma_wait3A_199] : memref<320000x128xf32, #tpu.memory_space<hbm>> -> memref<40x128xf32, #tpu.memory_space<hbm>>
        %dma_wait3A_201 = arith.constant 0 : i32
        %dma_wait3A_202 = tpu.memref_slice %arg3[%add3A_198, %dma_wait3A_201] : memref<320000x128xf32, #tpu.memory_space<hbm>> -> memref<40x128xf32, #tpu.memory_space<hbm>>
        tpu.wait_dma2 semaphore(%arg16 : memref<!tpu.dma_semaphore, #tpu.memory_space<semaphore_mem>>) src(%dma_wait3A_202 : memref<40x128xf32, #tpu.memory_space<hbm>>) dst(%arg11 : memref<40x128xf32, #tpu.memory_space<vmem>>)
        %scan3A_203 = arith.constant 0 : i32
        %scan3A_204 = arith.constant 40 : i32
        %scan3A_205 = arith.addi %scan3A_203, %scan3A_204 : i32
        %scan3A_206 = arith.constant 1 : i32
        scf.for %scan3A_251 = %scan3A_203 to %scan3A_205 step %scan3A_206  : i32 {
          %mul3A_252 = arith.constant 1 : i32
          %mul3A_253 = arith.muli %scan3A_251, %mul3A_252 : i32
          %add3A_254 = arith.constant 0 : i32
          %add3A_255 = arith.addi %add3A_254, %mul3A_253 : i32
          %get3A = arith.index_cast %add3A_255 : i32 to index
          %get3A_256 = arith.constant 0 : index
          %get3A_257 = tpu.vector_load %arg9[%get3A, %get3A_256] {strides = array<i32>} : memref<40x128xf32, #tpu.memory_space<vmem>>, vector<1x16xf32>,
          %get3A_258 = vector.shape_cast %get3A_257 : vector<1x16xf32> to vector<1x16xf32>
          %get3A_259 = arith.index_cast %add3A_255 : i32 to index
          %get3A_260 = arith.constant 0 : index
          %get3A_261 = tpu.vector_load %arg11[%get3A_259, %get3A_260] {strides = array<i32>} : memref<40x128xf32, #tpu.memory_space<vmem>>, vector<1x16xf32>,
          %get3A_262 = vector.shape_cast %get3A_261 : vector<1x16xf32> to vector<1x16xf32>
          %add3A_263 = arith.addf %get3A_258, %get3A_262 : vector<1x16xf32>
          %max3A = arith.constant 0.000000e+00 : f32
          %max3A_264 = vector.broadcast %max3A : f32 to vector<1x16xf32>
          %max3A_265 = arith.maximumf %add3A_263, %max3A_264 : vector<1x16xf32>
          %swap3A = arith.index_cast %add3A_255 : i32 to index
          %swap3A_266 = arith.constant 0 : index
          %swap3A_267 = tpu.vector_load %arg9[%swap3A, %swap3A_266] {strides = array<i32>} : memref<40x128xf32, #tpu.memory_space<vmem>>, vector<1x16xf32>,
          %swap3A_268 = vector.shape_cast %swap3A_267 : vector<1x16xf32> to vector<1x16xf32>
          %swap3A_269 = vector.shape_cast %max3A_265 : vector<1x16xf32> to vector<1x16xf32>
          tpu.vector_store %arg9[%swap3A, %swap3A_266], %swap3A_269 {strides = array<i32>} : memref<40x128xf32, #tpu.memory_space<vmem>>, vector<1x16xf32>,
          %get3A_270 = arith.index_cast %add3A_255 : i32 to index
          %get3A_271 = arith.constant 16 : index
          %get3A_272 = tpu.vector_load %arg9[%get3A_270, %get3A_271] {strides = array<i32>} : memref<40x128xf32, #tpu.memory_space<vmem>>, vector<1x16xf32>,
          %get3A_273 = vector.shape_cast %get3A_272 : vector<1x16xf32> to vector<1x16xf32>
          %get3A_274 = arith.index_cast %add3A_255 : i32 to index
          %get3A_275 = arith.constant 16 : index
          %get3A_276 = tpu.vector_load %arg11[%get3A_274, %get3A_275] {strides = array<i32>} : memref<40x128xf32, #tpu.memory_space<vmem>>, vector<1x16xf32>,
          %get3A_277 = vector.shape_cast %get3A_276 : vector<1x16xf32> to vector<1x16xf32>
          %add3A_278 = arith.addf %get3A_273, %get3A_277 : vector<1x16xf32>
          %max3A_279 = arith.constant 0.000000e+00 : f32
          %max3A_280 = vector.broadcast %max3A_279 : f32 to vector<1x16xf32>
          %max3A_281 = arith.maximumf %add3A_278, %max3A_280 : vector<1x16xf32>
          %swap3A_282 = arith.index_cast %add3A_255 : i32 to index
          %swap3A_283 = arith.constant 16 : index
          %swap3A_284 = tpu.vector_load %arg9[%swap3A_282, %swap3A_283] {strides = array<i32>} : memref<40x128xf32, #tpu.memory_space<vmem>>, vector<1x16xf32>,
          %swap3A_285 = vector.shape_cast %swap3A_284 : vector<1x16xf32> to vector<1x16xf32>
          %swap3A_286 = vector.shape_cast %max3A_281 : vector<1x16xf32> to vector<1x16xf32>
          tpu.vector_store %arg9[%swap3A_282, %swap3A_283], %swap3A_286 {strides = array<i32>} : memref<40x128xf32, #tpu.memory_space<vmem>>, vector<1x16xf32>,
          %get3A_287 = arith.index_cast %add3A_255 : i32 to index
          %get3A_288 = arith.constant 32 : index
          %get3A_289 = tpu.vector_load %arg9[%get3A_287, %get3A_288] {strides = array<i32>} : memref<40x128xf32, #tpu.memory_space<vmem>>, vector<1x16xf32>,
          %get3A_290 = vector.shape_cast %get3A_289 : vector<1x16xf32> to vector<1x16xf32>
          %get3A_291 = arith.index_cast %add3A_255 : i32 to index
          %get3A_292 = arith.constant 32 : index
          %get3A_293 = tpu.vector_load %arg11[%get3A_291, %get3A_292] {strides = array<i32>} : memref<40x128xf32, #tpu.memory_space<vmem>>, vector<1x16xf32>,
          %get3A_294 = vector.shape_cast %get3A_293 : vector<1x16xf32> to vector<1x16xf32>
          %add3A_295 = arith.addf %get3A_290, %get3A_294 : vector<1x16xf32>
          %max3A_296 = arith.constant 0.000000e+00 : f32
          %max3A_297 = vector.broadcast %max3A_296 : f32 to vector<1x16xf32>
          %max3A_298 = arith.maximumf %add3A_295, %max3A_297 : vector<1x16xf32>
          %swap3A_299 = arith.index_cast %add3A_255 : i32 to index
          %swap3A_300 = arith.constant 32 : index
          %swap3A_301 = tpu.vector_load %arg9[%swap3A_299, %swap3A_300] {strides = array<i32>} : memref<40x128xf32, #tpu.memory_space<vmem>>, vector<1x16xf32>,
          %swap3A_302 = vector.shape_cast %swap3A_301 : vector<1x16xf32> to vector<1x16xf32>
          %swap3A_303 = vector.shape_cast %max3A_298 : vector<1x16xf32> to vector<1x16xf32>
          tpu.vector_store %arg9[%swap3A_299, %swap3A_300], %swap3A_303 {strides = array<i32>} : memref<40x128xf32, #tpu.memory_space<vmem>>, vector<1x16xf32>,
          %get3A_304 = arith.index_cast %add3A_255 : i32 to index
          %get3A_305 = arith.constant 48 : index
          %get3A_306 = tpu.vector_load %arg9[%get3A_304, %get3A_305] {strides = array<i32>} : memref<40x128xf32, #tpu.memory_space<vmem>>, vector<1x16xf32>,
          %get3A_307 = vector.shape_cast %get3A_306 : vector<1x16xf32> to vector<1x16xf32>
          %get3A_308 = arith.index_cast %add3A_255 : i32 to index
          %get3A_309 = arith.constant 48 : index
          %get3A_310 = tpu.vector_load %arg11[%get3A_308, %get3A_309] {strides = array<i32>} : memref<40x128xf32, #tpu.memory_space<vmem>>, vector<1x16xf32>,
          %get3A_311 = vector.shape_cast %get3A_310 : vector<1x16xf32> to vector<1x16xf32>
          %add3A_312 = arith.addf %get3A_307, %get3A_311 : vector<1x16xf32>
          %max3A_313 = arith.constant 0.000000e+00 : f32
          %max3A_314 = vector.broadcast %max3A_313 : f32 to vector<1x16xf32>
          %max3A_315 = arith.maximumf %add3A_312, %max3A_314 : vector<1x16xf32>
          %swap3A_316 = arith.index_cast %add3A_255 : i32 to index
          %swap3A_317 = arith.constant 48 : index
          %swap3A_318 = tpu.vector_load %arg9[%swap3A_316, %swap3A_317] {strides = array<i32>} : memref<40x128xf32, #tpu.memory_space<vmem>>, vector<1x16xf32>,
          %swap3A_319 = vector.shape_cast %swap3A_318 : vector<1x16xf32> to vector<1x16xf32>
          %swap3A_320 = vector.shape_cast %max3A_315 : vector<1x16xf32> to vector<1x16xf32>
          tpu.vector_store %arg9[%swap3A_316, %swap3A_317], %swap3A_320 {strides = array<i32>} : memref<40x128xf32, #tpu.memory_space<vmem>>, vector<1x16xf32>,
          %get3A_321 = arith.index_cast %add3A_255 : i32 to index
          %get3A_322 = arith.constant 64 : index
          %get3A_323 = tpu.vector_load %arg9[%get3A_321, %get3A_322] {strides = array<i32>} : memref<40x128xf32, #tpu.memory_space<vmem>>, vector<1x16xf32>,
          %get3A_324 = vector.shape_cast %get3A_323 : vector<1x16xf32> to vector<1x16xf32>
          %get3A_325 = arith.index_cast %add3A_255 : i32 to index
          %get3A_326 = arith.constant 64 : index
          %get3A_327 = tpu.vector_load %arg11[%get3A_325, %get3A_326] {strides = array<i32>} : memref<40x128xf32, #tpu.memory_space<vmem>>, vector<1x16xf32>,
          %get3A_328 = vector.shape_cast %get3A_327 : vector<1x16xf32> to vector<1x16xf32>
          %add3A_329 = arith.addf %get3A_324, %get3A_328 : vector<1x16xf32>
          %max3A_330 = arith.constant 0.000000e+00 : f32
          %max3A_331 = vector.broadcast %max3A_330 : f32 to vector<1x16xf32>
          %max3A_332 = arith.maximumf %add3A_329, %max3A_331 : vector<1x16xf32>
          %swap3A_333 = arith.index_cast %add3A_255 : i32 to index
          %swap3A_334 = arith.constant 64 : index
          %swap3A_335 = tpu.vector_load %arg9[%swap3A_333, %swap3A_334] {strides = array<i32>} : memref<40x128xf32, #tpu.memory_space<vmem>>, vector<1x16xf32>,
          %swap3A_336 = vector.shape_cast %swap3A_335 : vector<1x16xf32> to vector<1x16xf32>
          %swap3A_337 = vector.shape_cast %max3A_332 : vector<1x16xf32> to vector<1x16xf32>
          tpu.vector_store %arg9[%swap3A_333, %swap3A_334], %swap3A_337 {strides = array<i32>} : memref<40x128xf32, #tpu.memory_space<vmem>>, vector<1x16xf32>,
          %get3A_338 = arith.index_cast %add3A_255 : i32 to index
          %get3A_339 = arith.constant 80 : index
          %get3A_340 = tpu.vector_load %arg9[%get3A_338, %get3A_339] {strides = array<i32>} : memref<40x128xf32, #tpu.memory_space<vmem>>, vector<1x16xf32>,
          %get3A_341 = vector.shape_cast %get3A_340 : vector<1x16xf32> to vector<1x16xf32>
          %get3A_342 = arith.index_cast %add3A_255 : i32 to index
          %get3A_343 = arith.constant 80 : index
          %get3A_344 = tpu.vector_load %arg11[%get3A_342, %get3A_343] {strides = array<i32>} : memref<40x128xf32, #tpu.memory_space<vmem>>, vector<1x16xf32>,
          %get3A_345 = vector.shape_cast %get3A_344 : vector<1x16xf32> to vector<1x16xf32>
          %add3A_346 = arith.addf %get3A_341, %get3A_345 : vector<1x16xf32>
          %max3A_347 = arith.constant 0.000000e+00 : f32
          %max3A_348 = vector.broadcast %max3A_347 : f32 to vector<1x16xf32>
          %max3A_349 = arith.maximumf %add3A_346, %max3A_348 : vector<1x16xf32>
          %swap3A_350 = arith.index_cast %add3A_255 : i32 to index
          %swap3A_351 = arith.constant 80 : index
          %swap3A_352 = tpu.vector_load %arg9[%swap3A_350, %swap3A_351] {strides = array<i32>} : memref<40x128xf32, #tpu.memory_space<vmem>>, vector<1x16xf32>,
          %swap3A_353 = vector.shape_cast %swap3A_352 : vector<1x16xf32> to vector<1x16xf32>
          %swap3A_354 = vector.shape_cast %max3A_349 : vector<1x16xf32> to vector<1x16xf32>
          tpu.vector_store %arg9[%swap3A_350, %swap3A_351], %swap3A_354 {strides = array<i32>} : memref<40x128xf32, #tpu.memory_space<vmem>>, vector<1x16xf32>,
          %get3A_355 = arith.index_cast %add3A_255 : i32 to index
          %get3A_356 = arith.constant 96 : index
          %get3A_357 = tpu.vector_load %arg9[%get3A_355, %get3A_356] {strides = array<i32>} : memref<40x128xf32, #tpu.memory_space<vmem>>, vector<1x16xf32>,
          %get3A_358 = vector.shape_cast %get3A_357 : vector<1x16xf32> to vector<1x16xf32>
          %get3A_359 = arith.index_cast %add3A_255 : i32 to index
          %get3A_360 = arith.constant 96 : index
          %get3A_361 = tpu.vector_load %arg11[%get3A_359, %get3A_360] {strides = array<i32>} : memref<40x128xf32, #tpu.memory_space<vmem>>, vector<1x16xf32>,
          %get3A_362 = vector.shape_cast %get3A_361 : vector<1x16xf32> to vector<1x16xf32>
          %add3A_363 = arith.addf %get3A_358, %get3A_362 : vector<1x16xf32>
          %max3A_364 = arith.constant 0.000000e+00 : f32
          %max3A_365 = vector.broadcast %max3A_364 : f32 to vector<1x16xf32>
          %max3A_366 = arith.maximumf %add3A_363, %max3A_365 : vector<1x16xf32>
          %swap3A_367 = arith.index_cast %add3A_255 : i32 to index
          %swap3A_368 = arith.constant 96 : index
          %swap3A_369 = tpu.vector_load %arg9[%swap3A_367, %swap3A_368] {strides = array<i32>} : memref<40x128xf32, #tpu.memory_space<vmem>>, vector<1x16xf32>,
          %swap3A_370 = vector.shape_cast %swap3A_369 : vector<1x16xf32> to vector<1x16xf32>
          %swap3A_371 = vector.shape_cast %max3A_366 : vector<1x16xf32> to vector<1x16xf32>
          tpu.vector_store %arg9[%swap3A_367, %swap3A_368], %swap3A_371 {strides = array<i32>} : memref<40x128xf32, #tpu.memory_space<vmem>>, vector<1x16xf32>,
          %get3A_372 = arith.index_cast %add3A_255 : i32 to index
          %get3A_373 = arith.constant 112 : index
          %get3A_374 = tpu.vector_load %arg9[%get3A_372, %get3A_373] {strides = array<i32>} : memref<40x128xf32, #tpu.memory_space<vmem>>, vector<1x16xf32>,
          %get3A_375 = vector.shape_cast %get3A_374 : vector<1x16xf32> to vector<1x16xf32>
          %get3A_376 = arith.index_cast %add3A_255 : i32 to index
          %get3A_377 = arith.constant 112 : index
          %get3A_378 = tpu.vector_load %arg11[%get3A_376, %get3A_377] {strides = array<i32>} : memref<40x128xf32, #tpu.memory_space<vmem>>, vector<1x16xf32>,
          %get3A_379 = vector.shape_cast %get3A_378 : vector<1x16xf32> to vector<1x16xf32>
          %add3A_380 = arith.addf %get3A_375, %get3A_379 : vector<1x16xf32>
          %max3A_381 = arith.constant 0.000000e+00 : f32
          %max3A_382 = vector.broadcast %max3A_381 : f32 to vector<1x16xf32>
          %max3A_383 = arith.maximumf %add3A_380, %max3A_382 : vector<1x16xf32>
          %swap3A_384 = arith.index_cast %add3A_255 : i32 to index
          %swap3A_385 = arith.constant 112 : index
          %swap3A_386 = tpu.vector_load %arg9[%swap3A_384, %swap3A_385] {strides = array<i32>} : memref<40x128xf32, #tpu.memory_space<vmem>>, vector<1x16xf32>,
          %swap3A_387 = vector.shape_cast %swap3A_386 : vector<1x16xf32> to vector<1x16xf32>
          %swap3A_388 = vector.shape_cast %max3A_383 : vector<1x16xf32> to vector<1x16xf32>
          tpu.vector_store %arg9[%swap3A_384, %swap3A_385], %swap3A_388 {strides = array<i32>} : memref<40x128xf32, #tpu.memory_space<vmem>>, vector<1x16xf32>,
        }
        %scan3A_207 = arith.constant 40 : i32
        "tpu.region"() ({
          %run_scoped3A_251 = tpu.sem_alloc : memref<!tpu.dma_semaphore, #tpu.memory_space<semaphore_mem>>
          %dma_start3A_252 = arith.constant 0 : i32
          %dma_start3A_253 = tpu.memref_slice %arg8[%mul3A_168, %dma_start3A_252] : memref<50x40xi32, #tpu.memory_space<vmem>> -> memref<1x40xi32, #tpu.memory_space<vmem>>
          %dma_start3A_254 = tpu.memref_squeeze %dma_start3A_253 : memref<1x40xi32, #tpu.memory_space<vmem>> -> memref<40xi32, #tpu.memory_space<vmem>>
          %dma_start3A_255 = arith.constant 0 : i32
          %dma_start3A_256 = arith.constant 0 : i32
          %dma_start3A_257 = tpu.memref_slice %arg13[%dma_start3A_255, %dma_start3A_256] : memref<10000x128xf32, #tpu.memory_space<vmem_shared>> -> memref<10000x128xf32, #tpu.memory_space<vmem_shared>>
          tpu.enqueue_indirect_dma source(%arg9 : memref<40x128xf32, #tpu.memory_space<vmem>>) target(%dma_start3A_257 : memref<10000x128xf32, #tpu.memory_space<vmem_shared>>) offsets(%dma_start3A_254 : memref<40xi32, #tpu.memory_space<vmem>>) semaphore(%run_scoped3A_251 : memref<!tpu.dma_semaphore, #tpu.memory_space<semaphore_mem>>) {add = true}
          %dma_wait3A_258 = arith.constant 0 : i32
          %dma_wait3A_259 = tpu.memref_slice %arg8[%mul3A_168, %dma_wait3A_258] : memref<50x40xi32, #tpu.memory_space<vmem>> -> memref<1x40xi32, #tpu.memory_space<vmem>>
          %dma_wait3A_260 = tpu.memref_squeeze %dma_wait3A_259 : memref<1x40xi32, #tpu.memory_space<vmem>> -> memref<40xi32, #tpu.memory_space<vmem>>
          %dma_wait3A_261 = arith.constant 0 : i32
          %dma_wait3A_262 = arith.constant 0 : i32
          %dma_wait3A_263 = tpu.memref_slice %arg13[%dma_wait3A_261, %dma_wait3A_262] : memref<10000x128xf32, #tpu.memory_space<vmem_shared>> -> memref<10000x128xf32, #tpu.memory_space<vmem_shared>>
          tpu.wait_indirect_dma semaphore(%run_scoped3A_251 : memref<!tpu.dma_semaphore, #tpu.memory_space<semaphore_mem>>) src(%arg9 : memref<40x128xf32, #tpu.memory_space<vmem>>) dst(%dma_wait3A_263 : memref<10000x128xf32, #tpu.memory_space<vmem_shared>>)
          tpu.yield
        }) : () -> ()
        %add3A_208 = arith.constant 2 : i32
        %add3A_209 = arith.addi %mul3A_168, %add3A_208 : i32
        %dma_start3A_210 = arith.constant 0 : i32
        %dma_start3A_211 = tpu.memref_slice %arg7[%add3A_209, %dma_start3A_210] : memref<50x40xi32, #tpu.memory_space<vmem>> -> memref<1x40xi32, #tpu.memory_space<vmem>>
        %dma_start3A_212 = tpu.memref_squeeze %dma_start3A_211 : memref<1x40xi32, #tpu.memory_space<vmem>> -> memref<40xi32, #tpu.memory_space<vmem>>
        %dma_start3A_213 = arith.constant 0 : i32
        %dma_start3A_214 = arith.constant 0 : i32
        %dma_start3A_215 = tpu.memref_slice %arg2[%dma_start3A_213, %dma_start3A_214] : memref<10000x128xf32, #tpu.memory_space<hbm>> -> memref<10000x128xf32, #tpu.memory_space<hbm>>
        tpu.enqueue_indirect_dma source(%dma_start3A_215 : memref<10000x128xf32, #tpu.memory_space<hbm>>) target(%arg9 : memref<40x128xf32, #tpu.memory_space<vmem>>) offsets(%dma_start3A_212 : memref<40xi32, #tpu.memory_space<vmem>>) semaphore(%arg14 : memref<!tpu.dma_semaphore, #tpu.memory_space<semaphore_mem>>)
        %mul3A_216 = arith.constant 50 : i32
        %mul3A_217 = arith.muli %add3A_67, %mul3A_216 : i32
        %add3A_218 = arith.addi %mul3A_217, %add3A_209 : i32
        %mul3A_219 = arith.constant 40 : i32
        %mul3A_220 = arith.muli %add3A_218, %mul3A_219 : i32
        %add3A_221 = arith.addi %mul3A_2, %mul3A_220 : i32
        %dma_start3A_222 = arith.constant 0 : i32
        %dma_start3A_223 = tpu.memref_slice %arg3[%add3A_221, %dma_start3A_222] : memref<320000x128xf32, #tpu.memory_space<hbm>> -> memref<40x128xf32, #tpu.memory_space<hbm>>
        %dma_start3A_224 = arith.constant 0 : i32
        %dma_start3A_225 = tpu.memref_slice %arg3[%add3A_221, %dma_start3A_224] : memref<320000x128xf32, #tpu.memory_space<hbm>> -> memref<40x128xf32, #tpu.memory_space<hbm>>
        tpu.enqueue_dma source(%dma_start3A_225 : memref<40x128xf32, #tpu.memory_space<hbm>>) target(%arg11 : memref<40x128xf32, #tpu.memory_space<vmem>>) target_semaphore(%arg16 : memref<!tpu.dma_semaphore, #tpu.memory_space<semaphore_mem>>)
        %add3A_226 = arith.constant 1 : i32
        %add3A_227 = arith.addi %mul3A_168, %add3A_226 : i32
        %dma_wait3A_228 = arith.constant 0 : i32
        %dma_wait3A_229 = tpu.memref_slice %arg7[%add3A_227, %dma_wait3A_228] : memref<50x40xi32, #tpu.memory_space<vmem>> -> memref<1x40xi32, #tpu.memory_space<vmem>>
        %dma_wait3A_230 = tpu.memref_squeeze %dma_wait3A_229 : memref<1x40xi32, #tpu.memory_space<vmem>> -> memref<40xi32, #tpu.memory_space<vmem>>
        %dma_wait3A_231 = arith.constant 0 : i32
        %dma_wait3A_232 = arith.constant 0 : i32
        %dma_wait3A_233 = tpu.memref_slice %arg2[%dma_wait3A_231, %dma_wait3A_232] : memref<10000x128xf32, #tpu.memory_space<hbm>> -> memref<10000x128xf32, #tpu.memory_space<hbm>>
        tpu.wait_indirect_dma semaphore(%arg15 : memref<!tpu.dma_semaphore, #tpu.memory_space<semaphore_mem>>) src(%dma_wait3A_233 : memref<10000x128xf32, #tpu.memory_space<hbm>>) dst(%arg10 : memref<40x128xf32, #tpu.memory_space<vmem>>)
        %mul3A_234 = arith.constant 50 : i32
        %mul3A_235 = arith.muli %add3A_67, %mul3A_234 : i32
        %add3A_236 = arith.addi %mul3A_235, %add3A_227 : i32
        %mul3A_237 = arith.constant 40 : i32
        %mul3A_238 = arith.muli %add3A_236, %mul3A_237 : i32
        %add3A_239 = arith.addi %mul3A_2, %mul3A_238 : i32
        %dma_wait3A_240 = arith.constant 0 : i32
        %dma_wait3A_241 = tpu.memref_slice %arg3[%add3A_239, %dma_wait3A_240] : memref<320000x128xf32, #tpu.memory_space<hbm>> -> memref<40x128xf32, #tpu.memory_space<hbm>>
        %dma_wait3A_242 = arith.constant 0 : i32
        %dma_wait3A_243 = tpu.memref_slice %arg3[%add3A_239, %dma_wait3A_242] : memref<320000x128xf32, #tpu.memory_space<hbm>> -> memref<40x128xf32, #tpu.memory_space<hbm>>
        tpu.wait_dma2 semaphore(%arg17 : memref<!tpu.dma_semaphore, #tpu.memory_space<semaphore_mem>>) src(%dma_wait3A_243 : memref<40x128xf32, #tpu.memory_space<hbm>>) dst(%arg12 : memref<40x128xf32, #tpu.memory_space<vmem>>)
        %add3A_244 = arith.constant 1 : i32
        %add3A_245 = arith.addi %mul3A_168, %add3A_244 : i32
        %scan3A_246 = arith.constant 0 : i32
        %scan3A_247 = arith.constant 40 : i32
        %scan3A_248 = arith.addi %scan3A_246, %scan3A_247 : i32
        %scan3A_249 = arith.constant 1 : i32
        scf.for %scan3A_251 = %scan3A_246 to %scan3A_248 step %scan3A_249  : i32 {
          %mul3A_252 = arith.constant 1 : i32
          %mul3A_253 = arith.muli %scan3A_251, %mul3A_252 : i32
          %add3A_254 = arith.constant 0 : i32
          %add3A_255 = arith.addi %add3A_254, %mul3A_253 : i32
          %get3A = arith.index_cast %add3A_255 : i32 to index
          %get3A_256 = arith.constant 0 : index
          %get3A_257 = tpu.vector_load %arg10[%get3A, %get3A_256] {strides = array<i32>} : memref<40x128xf32, #tpu.memory_space<vmem>>, vector<1x16xf32>,
          %get3A_258 = vector.shape_cast %get3A_257 : vector<1x16xf32> to vector<1x16xf32>
          %get3A_259 = arith.index_cast %add3A_255 : i32 to index
          %get3A_260 = arith.constant 0 : index
          %get3A_261 = tpu.vector_load %arg12[%get3A_259, %get3A_260] {strides = array<i32>} : memref<40x128xf32, #tpu.memory_space<vmem>>, vector<1x16xf32>,
          %get3A_262 = vector.shape_cast %get3A_261 : vector<1x16xf32> to vector<1x16xf32>
          %add3A_263 = arith.addf %get3A_258, %get3A_262 : vector<1x16xf32>
          %max3A = arith.constant 0.000000e+00 : f32
          %max3A_264 = vector.broadcast %max3A : f32 to vector<1x16xf32>
          %max3A_265 = arith.maximumf %add3A_263, %max3A_264 : vector<1x16xf32>
          %swap3A = arith.index_cast %add3A_255 : i32 to index
          %swap3A_266 = arith.constant 0 : index
          %swap3A_267 = tpu.vector_load %arg10[%swap3A, %swap3A_266] {strides = array<i32>} : memref<40x128xf32, #tpu.memory_space<vmem>>, vector<1x16xf32>,
          %swap3A_268 = vector.shape_cast %swap3A_267 : vector<1x16xf32> to vector<1x16xf32>
          %swap3A_269 = vector.shape_cast %max3A_265 : vector<1x16xf32> to vector<1x16xf32>
          tpu.vector_store %arg10[%swap3A, %swap3A_266], %swap3A_269 {strides = array<i32>} : memref<40x128xf32, #tpu.memory_space<vmem>>, vector<1x16xf32>,
          %get3A_270 = arith.index_cast %add3A_255 : i32 to index
          %get3A_271 = arith.constant 16 : index
          %get3A_272 = tpu.vector_load %arg10[%get3A_270, %get3A_271] {strides = array<i32>} : memref<40x128xf32, #tpu.memory_space<vmem>>, vector<1x16xf32>,
          %get3A_273 = vector.shape_cast %get3A_272 : vector<1x16xf32> to vector<1x16xf32>
          %get3A_274 = arith.index_cast %add3A_255 : i32 to index
          %get3A_275 = arith.constant 16 : index
          %get3A_276 = tpu.vector_load %arg12[%get3A_274, %get3A_275] {strides = array<i32>} : memref<40x128xf32, #tpu.memory_space<vmem>>, vector<1x16xf32>,
          %get3A_277 = vector.shape_cast %get3A_276 : vector<1x16xf32> to vector<1x16xf32>
          %add3A_278 = arith.addf %get3A_273, %get3A_277 : vector<1x16xf32>
          %max3A_279 = arith.constant 0.000000e+00 : f32
          %max3A_280 = vector.broadcast %max3A_279 : f32 to vector<1x16xf32>
          %max3A_281 = arith.maximumf %add3A_278, %max3A_280 : vector<1x16xf32>
          %swap3A_282 = arith.index_cast %add3A_255 : i32 to index
          %swap3A_283 = arith.constant 16 : index
          %swap3A_284 = tpu.vector_load %arg10[%swap3A_282, %swap3A_283] {strides = array<i32>} : memref<40x128xf32, #tpu.memory_space<vmem>>, vector<1x16xf32>,
          %swap3A_285 = vector.shape_cast %swap3A_284 : vector<1x16xf32> to vector<1x16xf32>
          %swap3A_286 = vector.shape_cast %max3A_281 : vector<1x16xf32> to vector<1x16xf32>
          tpu.vector_store %arg10[%swap3A_282, %swap3A_283], %swap3A_286 {strides = array<i32>} : memref<40x128xf32, #tpu.memory_space<vmem>>, vector<1x16xf32>,
          %get3A_287 = arith.index_cast %add3A_255 : i32 to index
          %get3A_288 = arith.constant 32 : index
          %get3A_289 = tpu.vector_load %arg10[%get3A_287, %get3A_288] {strides = array<i32>} : memref<40x128xf32, #tpu.memory_space<vmem>>, vector<1x16xf32>,
          %get3A_290 = vector.shape_cast %get3A_289 : vector<1x16xf32> to vector<1x16xf32>
          %get3A_291 = arith.index_cast %add3A_255 : i32 to index
          %get3A_292 = arith.constant 32 : index
          %get3A_293 = tpu.vector_load %arg12[%get3A_291, %get3A_292] {strides = array<i32>} : memref<40x128xf32, #tpu.memory_space<vmem>>, vector<1x16xf32>,
          %get3A_294 = vector.shape_cast %get3A_293 : vector<1x16xf32> to vector<1x16xf32>
          %add3A_295 = arith.addf %get3A_290, %get3A_294 : vector<1x16xf32>
          %max3A_296 = arith.constant 0.000000e+00 : f32
          %max3A_297 = vector.broadcast %max3A_296 : f32 to vector<1x16xf32>
          %max3A_298 = arith.maximumf %add3A_295, %max3A_297 : vector<1x16xf32>
          %swap3A_299 = arith.index_cast %add3A_255 : i32 to index
          %swap3A_300 = arith.constant 32 : index
          %swap3A_301 = tpu.vector_load %arg10[%swap3A_299, %swap3A_300] {strides = array<i32>} : memref<40x128xf32, #tpu.memory_space<vmem>>, vector<1x16xf32>,
          %swap3A_302 = vector.shape_cast %swap3A_301 : vector<1x16xf32> to vector<1x16xf32>
          %swap3A_303 = vector.shape_cast %max3A_298 : vector<1x16xf32> to vector<1x16xf32>
          tpu.vector_store %arg10[%swap3A_299, %swap3A_300], %swap3A_303 {strides = array<i32>} : memref<40x128xf32, #tpu.memory_space<vmem>>, vector<1x16xf32>,
          %get3A_304 = arith.index_cast %add3A_255 : i32 to index
          %get3A_305 = arith.constant 48 : index
          %get3A_306 = tpu.vector_load %arg10[%get3A_304, %get3A_305] {strides = array<i32>} : memref<40x128xf32, #tpu.memory_space<vmem>>, vector<1x16xf32>,
          %get3A_307 = vector.shape_cast %get3A_306 : vector<1x16xf32> to vector<1x16xf32>
          %get3A_308 = arith.index_cast %add3A_255 : i32 to index
          %get3A_309 = arith.constant 48 : index
          %get3A_310 = tpu.vector_load %arg12[%get3A_308, %get3A_309] {strides = array<i32>} : memref<40x128xf32, #tpu.memory_space<vmem>>, vector<1x16xf32>,
          %get3A_311 = vector.shape_cast %get3A_310 : vector<1x16xf32> to vector<1x16xf32>
          %add3A_312 = arith.addf %get3A_307, %get3A_311 : vector<1x16xf32>
          %max3A_313 = arith.constant 0.000000e+00 : f32
          %max3A_314 = vector.broadcast %max3A_313 : f32 to vector<1x16xf32>
          %max3A_315 = arith.maximumf %add3A_312, %max3A_314 : vector<1x16xf32>
          %swap3A_316 = arith.index_cast %add3A_255 : i32 to index
          %swap3A_317 = arith.constant 48 : index
          %swap3A_318 = tpu.vector_load %arg10[%swap3A_316, %swap3A_317] {strides = array<i32>} : memref<40x128xf32, #tpu.memory_space<vmem>>, vector<1x16xf32>,
          %swap3A_319 = vector.shape_cast %swap3A_318 : vector<1x16xf32> to vector<1x16xf32>
          %swap3A_320 = vector.shape_cast %max3A_315 : vector<1x16xf32> to vector<1x16xf32>
          tpu.vector_store %arg10[%swap3A_316, %swap3A_317], %swap3A_320 {strides = array<i32>} : memref<40x128xf32, #tpu.memory_space<vmem>>, vector<1x16xf32>,
          %get3A_321 = arith.index_cast %add3A_255 : i32 to index
          %get3A_322 = arith.constant 64 : index
          %get3A_323 = tpu.vector_load %arg10[%get3A_321, %get3A_322] {strides = array<i32>} : memref<40x128xf32, #tpu.memory_space<vmem>>, vector<1x16xf32>,
          %get3A_324 = vector.shape_cast %get3A_323 : vector<1x16xf32> to vector<1x16xf32>
          %get3A_325 = arith.index_cast %add3A_255 : i32 to index
          %get3A_326 = arith.constant 64 : index
          %get3A_327 = tpu.vector_load %arg12[%get3A_325, %get3A_326] {strides = array<i32>} : memref<40x128xf32, #tpu.memory_space<vmem>>, vector<1x16xf32>,
          %get3A_328 = vector.shape_cast %get3A_327 : vector<1x16xf32> to vector<1x16xf32>
          %add3A_329 = arith.addf %get3A_324, %get3A_328 : vector<1x16xf32>
          %max3A_330 = arith.constant 0.000000e+00 : f32
          %max3A_331 = vector.broadcast %max3A_330 : f32 to vector<1x16xf32>
          %max3A_332 = arith.maximumf %add3A_329, %max3A_331 : vector<1x16xf32>
          %swap3A_333 = arith.index_cast %add3A_255 : i32 to index
          %swap3A_334 = arith.constant 64 : index
          %swap3A_335 = tpu.vector_load %arg10[%swap3A_333, %swap3A_334] {strides = array<i32>} : memref<40x128xf32, #tpu.memory_space<vmem>>, vector<1x16xf32>,
          %swap3A_336 = vector.shape_cast %swap3A_335 : vector<1x16xf32> to vector<1x16xf32>
          %swap3A_337 = vector.shape_cast %max3A_332 : vector<1x16xf32> to vector<1x16xf32>
          tpu.vector_store %arg10[%swap3A_333, %swap3A_334], %swap3A_337 {strides = array<i32>} : memref<40x128xf32, #tpu.memory_space<vmem>>, vector<1x16xf32>,
          %get3A_338 = arith.index_cast %add3A_255 : i32 to index
          %get3A_339 = arith.constant 80 : index
          %get3A_340 = tpu.vector_load %arg10[%get3A_338, %get3A_339] {strides = array<i32>} : memref<40x128xf32, #tpu.memory_space<vmem>>, vector<1x16xf32>,
          %get3A_341 = vector.shape_cast %get3A_340 : vector<1x16xf32> to vector<1x16xf32>
          %get3A_342 = arith.index_cast %add3A_255 : i32 to index
          %get3A_343 = arith.constant 80 : index
          %get3A_344 = tpu.vector_load %arg12[%get3A_342, %get3A_343] {strides = array<i32>} : memref<40x128xf32, #tpu.memory_space<vmem>>, vector<1x16xf32>,
          %get3A_345 = vector.shape_cast %get3A_344 : vector<1x16xf32> to vector<1x16xf32>
          %add3A_346 = arith.addf %get3A_341, %get3A_345 : vector<1x16xf32>
          %max3A_347 = arith.constant 0.000000e+00 : f32
          %max3A_348 = vector.broadcast %max3A_347 : f32 to vector<1x16xf32>
          %max3A_349 = arith.maximumf %add3A_346, %max3A_348 : vector<1x16xf32>
          %swap3A_350 = arith.index_cast %add3A_255 : i32 to index
          %swap3A_351 = arith.constant 80 : index
          %swap3A_352 = tpu.vector_load %arg10[%swap3A_350, %swap3A_351] {strides = array<i32>} : memref<40x128xf32, #tpu.memory_space<vmem>>, vector<1x16xf32>,
          %swap3A_353 = vector.shape_cast %swap3A_352 : vector<1x16xf32> to vector<1x16xf32>
          %swap3A_354 = vector.shape_cast %max3A_349 : vector<1x16xf32> to vector<1x16xf32>
          tpu.vector_store %arg10[%swap3A_350, %swap3A_351], %swap3A_354 {strides = array<i32>} : memref<40x128xf32, #tpu.memory_space<vmem>>, vector<1x16xf32>,
          %get3A_355 = arith.index_cast %add3A_255 : i32 to index
          %get3A_356 = arith.constant 96 : index
          %get3A_357 = tpu.vector_load %arg10[%get3A_355, %get3A_356] {strides = array<i32>} : memref<40x128xf32, #tpu.memory_space<vmem>>, vector<1x16xf32>,
          %get3A_358 = vector.shape_cast %get3A_357 : vector<1x16xf32> to vector<1x16xf32>
          %get3A_359 = arith.index_cast %add3A_255 : i32 to index
          %get3A_360 = arith.constant 96 : index
          %get3A_361 = tpu.vector_load %arg12[%get3A_359, %get3A_360] {strides = array<i32>} : memref<40x128xf32, #tpu.memory_space<vmem>>, vector<1x16xf32>,
          %get3A_362 = vector.shape_cast %get3A_361 : vector<1x16xf32> to vector<1x16xf32>
          %add3A_363 = arith.addf %get3A_358, %get3A_362 : vector<1x16xf32>
          %max3A_364 = arith.constant 0.000000e+00 : f32
          %max3A_365 = vector.broadcast %max3A_364 : f32 to vector<1x16xf32>
          %max3A_366 = arith.maximumf %add3A_363, %max3A_365 : vector<1x16xf32>
          %swap3A_367 = arith.index_cast %add3A_255 : i32 to index
          %swap3A_368 = arith.constant 96 : index
          %swap3A_369 = tpu.vector_load %arg10[%swap3A_367, %swap3A_368] {strides = array<i32>} : memref<40x128xf32, #tpu.memory_space<vmem>>, vector<1x16xf32>,
          %swap3A_370 = vector.shape_cast %swap3A_369 : vector<1x16xf32> to vector<1x16xf32>
          %swap3A_371 = vector.shape_cast %max3A_366 : vector<1x16xf32> to vector<1x16xf32>
          tpu.vector_store %arg10[%swap3A_367, %swap3A_368], %swap3A_371 {strides = array<i32>} : memref<40x128xf32, #tpu.memory_space<vmem>>, vector<1x16xf32>,
          %get3A_372 = arith.index_cast %add3A_255 : i32 to index
          %get3A_373 = arith.constant 112 : index
          %get3A_374 = tpu.vector_load %arg10[%get3A_372, %get3A_373] {strides = array<i32>} : memref<40x128xf32, #tpu.memory_space<vmem>>, vector<1x16xf32>,
          %get3A_375 = vector.shape_cast %get3A_374 : vector<1x16xf32> to vector<1x16xf32>
          %get3A_376 = arith.index_cast %add3A_255 : i32 to index
          %get3A_377 = arith.constant 112 : index
          %get3A_378 = tpu.vector_load %arg12[%get3A_376, %get3A_377] {strides = array<i32>} : memref<40x128xf32, #tpu.memory_space<vmem>>, vector<1x16xf32>,
          %get3A_379 = vector.shape_cast %get3A_378 : vector<1x16xf32> to vector<1x16xf32>
          %add3A_380 = arith.addf %get3A_375, %get3A_379 : vector<1x16xf32>
          %max3A_381 = arith.constant 0.000000e+00 : f32
          %max3A_382 = vector.broadcast %max3A_381 : f32 to vector<1x16xf32>
          %max3A_383 = arith.maximumf %add3A_380, %max3A_382 : vector<1x16xf32>
          %swap3A_384 = arith.index_cast %add3A_255 : i32 to index
          %swap3A_385 = arith.constant 112 : index
          %swap3A_386 = tpu.vector_load %arg10[%swap3A_384, %swap3A_385] {strides = array<i32>} : memref<40x128xf32, #tpu.memory_space<vmem>>, vector<1x16xf32>,
          %swap3A_387 = vector.shape_cast %swap3A_386 : vector<1x16xf32> to vector<1x16xf32>
          %swap3A_388 = vector.shape_cast %max3A_383 : vector<1x16xf32> to vector<1x16xf32>
          tpu.vector_store %arg10[%swap3A_384, %swap3A_385], %swap3A_388 {strides = array<i32>} : memref<40x128xf32, #tpu.memory_space<vmem>>, vector<1x16xf32>,
        }
        %scan3A_250 = arith.constant 40 : i32
        "tpu.region"() ({
          %run_scoped3A_251 = tpu.sem_alloc : memref<!tpu.dma_semaphore, #tpu.memory_space<semaphore_mem>>
          %dma_start3A_252 = arith.constant 0 : i32
          %dma_start3A_253 = tpu.memref_slice %arg8[%add3A_245, %dma_start3A_252] : memref<50x40xi32, #tpu.memory_space<vmem>> -> memref<1x40xi32, #tpu.memory_space<vmem>>
          %dma_start3A_254 = tpu.memref_squeeze %dma_start3A_253 : memref<1x40xi32, #tpu.memory_space<vmem>> -> memref<40xi32, #tpu.memory_space<vmem>>
          %dma_start3A_255 = arith.constant 0 : i32
          %dma_start3A_256 = arith.constant 0 : i32
          %dma_start3A_257 = tpu.memref_slice %arg13[%dma_start3A_255, %dma_start3A_256] : memref<10000x128xf32, #tpu.memory_space<vmem_shared>> -> memref<10000x128xf32, #tpu.memory_space<vmem_shared>>
          tpu.enqueue_indirect_dma source(%arg10 : memref<40x128xf32, #tpu.memory_space<vmem>>) target(%dma_start3A_257 : memref<10000x128xf32, #tpu.memory_space<vmem_shared>>) offsets(%dma_start3A_254 : memref<40xi32, #tpu.memory_space<vmem>>) semaphore(%run_scoped3A_251 : memref<!tpu.dma_semaphore, #tpu.memory_space<semaphore_mem>>) {add = true}
          %dma_wait3A_258 = arith.constant 0 : i32
          %dma_wait3A_259 = tpu.memref_slice %arg8[%add3A_245, %dma_wait3A_258] : memref<50x40xi32, #tpu.memory_space<vmem>> -> memref<1x40xi32, #tpu.memory_space<vmem>>
          %dma_wait3A_260 = tpu.memref_squeeze %dma_wait3A_259 : memref<1x40xi32, #tpu.memory_space<vmem>> -> memref<40xi32, #tpu.memory_space<vmem>>
          %dma_wait3A_261 = arith.constant 0 : i32
          %dma_wait3A_262 = arith.constant 0 : i32
          %dma_wait3A_263 = tpu.memref_slice %arg13[%dma_wait3A_261, %dma_wait3A_262] : memref<10000x128xf32, #tpu.memory_space<vmem_shared>> -> memref<10000x128xf32, #tpu.memory_space<vmem_shared>>
          tpu.wait_indirect_dma semaphore(%run_scoped3A_251 : memref<!tpu.dma_semaphore, #tpu.memory_space<semaphore_mem>>) src(%arg10 : memref<40x128xf32, #tpu.memory_space<vmem>>) dst(%dma_wait3A_263 : memref<10000x128xf32, #tpu.memory_space<vmem_shared>>)
          tpu.yield
        }) : () -> ()
      }
      %scan3A_90 = arith.constant 24 : i32
      %dma_start3A_91 = arith.constant 49 : i32
      %dma_start3A_92 = arith.constant 0 : i32
      %dma_start3A_93 = tpu.memref_slice %arg7[%dma_start3A_91, %dma_start3A_92] : memref<50x40xi32, #tpu.memory_space<vmem>> -> memref<1x40xi32, #tpu.memory_space<vmem>>
      %dma_start3A_94 = tpu.memref_squeeze %dma_start3A_93 : memref<1x40xi32, #tpu.memory_space<vmem>> -> memref<40xi32, #tpu.memory_space<vmem>>
      %dma_start3A_95 = arith.constant 0 : i32
      %dma_start3A_96 = arith.constant 0 : i32
      %dma_start3A_97 = tpu.memref_slice %arg2[%dma_start3A_95, %dma_start3A_96] : memref<10000x128xf32, #tpu.memory_space<hbm>> -> memref<10000x128xf32, #tpu.memory_space<hbm>>
      tpu.enqueue_indirect_dma source(%dma_start3A_97 : memref<10000x128xf32, #tpu.memory_space<hbm>>) target(%arg10 : memref<40x128xf32, #tpu.memory_space<vmem>>) offsets(%dma_start3A_94 : memref<40xi32, #tpu.memory_space<vmem>>) semaphore(%arg15 : memref<!tpu.dma_semaphore, #tpu.memory_space<semaphore_mem>>)
      %mul3A_98 = arith.constant 50 : i32
      %mul3A_99 = arith.muli %add3A_67, %mul3A_98 : i32
      %add3A_100 = arith.constant 49 : i32
      %add3A_101 = arith.addi %mul3A_99, %add3A_100 : i32
      %mul3A_102 = arith.constant 40 : i32
      %mul3A_103 = arith.muli %add3A_101, %mul3A_102 : i32
      %add3A_104 = arith.addi %mul3A_2, %mul3A_103 : i32
      %dma_start3A_105 = arith.constant 0 : i32
      %dma_start3A_106 = tpu.memref_slice %arg3[%add3A_104, %dma_start3A_105] : memref<320000x128xf32, #tpu.memory_space<hbm>> -> memref<40x128xf32, #tpu.memory_space<hbm>>
      %dma_start3A_107 = arith.constant 0 : i32
      %dma_start3A_108 = tpu.memref_slice %arg3[%add3A_104, %dma_start3A_107] : memref<320000x128xf32, #tpu.memory_space<hbm>> -> memref<40x128xf32, #tpu.memory_space<hbm>>
      tpu.enqueue_dma source(%dma_start3A_108 : memref<40x128xf32, #tpu.memory_space<hbm>>) target(%arg12 : memref<40x128xf32, #tpu.memory_space<vmem>>) target_semaphore(%arg17 : memref<!tpu.dma_semaphore, #tpu.memory_space<semaphore_mem>>)
      %dma_wait3A_109 = arith.constant 48 : i32
      %dma_wait3A_110 = arith.constant 0 : i32
      %dma_wait3A_111 = tpu.memref_slice %arg7[%dma_wait3A_109, %dma_wait3A_110] : memref<50x40xi32, #tpu.memory_space<vmem>> -> memref<1x40xi32, #tpu.memory_space<vmem>>
      %dma_wait3A_112 = tpu.memref_squeeze %dma_wait3A_111 : memref<1x40xi32, #tpu.memory_space<vmem>> -> memref<40xi32, #tpu.memory_space<vmem>>
      %dma_wait3A_113 = arith.constant 0 : i32
      %dma_wait3A_114 = arith.constant 0 : i32
      %dma_wait3A_115 = tpu.memref_slice %arg2[%dma_wait3A_113, %dma_wait3A_114] : memref<10000x128xf32, #tpu.memory_space<hbm>> -> memref<10000x128xf32, #tpu.memory_space<hbm>>
      tpu.wait_indirect_dma semaphore(%arg14 : memref<!tpu.dma_semaphore, #tpu.memory_space<semaphore_mem>>) src(%dma_wait3A_115 : memref<10000x128xf32, #tpu.memory_space<hbm>>) dst(%arg9 : memref<40x128xf32, #tpu.memory_space<vmem>>)
      %mul3A_116 = arith.constant 50 : i32
      %mul3A_117 = arith.muli %add3A_67, %mul3A_116 : i32
      %add3A_118 = arith.constant 48 : i32
      %add3A_119 = arith.addi %mul3A_117, %add3A_118 : i32
      %mul3A_120 = arith.constant 40 : i32
      %mul3A_121 = arith.muli %add3A_119, %mul3A_120 : i32
      %add3A_122 = arith.addi %mul3A_2, %mul3A_121 : i32
      %dma_wait3A_123 = arith.constant 0 : i32
      %dma_wait3A_124 = tpu.memref_slice %arg3[%add3A_122, %dma_wait3A_123] : memref<320000x128xf32, #tpu.memory_space<hbm>> -> memref<40x128xf32, #tpu.memory_space<hbm>>
      %dma_wait3A_125 = arith.constant 0 : i32
      %dma_wait3A_126 = tpu.memref_slice %arg3[%add3A_122, %dma_wait3A_125] : memref<320000x128xf32, #tpu.memory_space<hbm>> -> memref<40x128xf32, #tpu.memory_space<hbm>>
      tpu.wait_dma2 semaphore(%arg16 : memref<!tpu.dma_semaphore, #tpu.memory_space<semaphore_mem>>) src(%dma_wait3A_126 : memref<40x128xf32, #tpu.memory_space<hbm>>) dst(%arg11 : memref<40x128xf32, #tpu.memory_space<vmem>>)
      %scan3A_127 = arith.constant 0 : i32
      %scan3A_128 = arith.constant 40 : i32
      %scan3A_129 = arith.addi %scan3A_127, %scan3A_128 : i32
      %scan3A_130 = arith.constant 1 : i32
      scf.for %scan3A_162 = %scan3A_127 to %scan3A_129 step %scan3A_130  : i32 {
        %mul3A_163 = arith.constant 1 : i32
        %mul3A_164 = arith.muli %scan3A_162, %mul3A_163 : i32
        %add3A_165 = arith.constant 0 : i32
        %add3A_166 = arith.addi %add3A_165, %mul3A_164 : i32
        %get3A = arith.index_cast %add3A_166 : i32 to index
        %get3A_167 = arith.constant 0 : index
        %get3A_168 = tpu.vector_load %arg9[%get3A, %get3A_167] {strides = array<i32>} : memref<40x128xf32, #tpu.memory_space<vmem>>, vector<1x16xf32>,
        %get3A_169 = vector.shape_cast %get3A_168 : vector<1x16xf32> to vector<1x16xf32>
        %get3A_170 = arith.index_cast %add3A_166 : i32 to index
        %get3A_171 = arith.constant 0 : index
        %get3A_172 = tpu.vector_load %arg11[%get3A_170, %get3A_171] {strides = array<i32>} : memref<40x128xf32, #tpu.memory_space<vmem>>, vector<1x16xf32>,
        %get3A_173 = vector.shape_cast %get3A_172 : vector<1x16xf32> to vector<1x16xf32>
        %add3A_174 = arith.addf %get3A_169, %get3A_173 : vector<1x16xf32>
        %max3A = arith.constant 0.000000e+00 : f32
        %max3A_175 = vector.broadcast %max3A : f32 to vector<1x16xf32>
        %max3A_176 = arith.maximumf %add3A_174, %max3A_175 : vector<1x16xf32>
        %swap3A = arith.index_cast %add3A_166 : i32 to index
        %swap3A_177 = arith.constant 0 : index
        %swap3A_178 = tpu.vector_load %arg9[%swap3A, %swap3A_177] {strides = array<i32>} : memref<40x128xf32, #tpu.memory_space<vmem>>, vector<1x16xf32>,
        %swap3A_179 = vector.shape_cast %swap3A_178 : vector<1x16xf32> to vector<1x16xf32>
        %swap3A_180 = vector.shape_cast %max3A_176 : vector<1x16xf32> to vector<1x16xf32>
        tpu.vector_store %arg9[%swap3A, %swap3A_177], %swap3A_180 {strides = array<i32>} : memref<40x128xf32, #tpu.memory_space<vmem>>, vector<1x16xf32>,
        %get3A_181 = arith.index_cast %add3A_166 : i32 to index
        %get3A_182 = arith.constant 16 : index
        %get3A_183 = tpu.vector_load %arg9[%get3A_181, %get3A_182] {strides = array<i32>} : memref<40x128xf32, #tpu.memory_space<vmem>>, vector<1x16xf32>,
        %get3A_184 = vector.shape_cast %get3A_183 : vector<1x16xf32> to vector<1x16xf32>
        %get3A_185 = arith.index_cast %add3A_166 : i32 to index
        %get3A_186 = arith.constant 16 : index
        %get3A_187 = tpu.vector_load %arg11[%get3A_185, %get3A_186] {strides = array<i32>} : memref<40x128xf32, #tpu.memory_space<vmem>>, vector<1x16xf32>,
        %get3A_188 = vector.shape_cast %get3A_187 : vector<1x16xf32> to vector<1x16xf32>
        %add3A_189 = arith.addf %get3A_184, %get3A_188 : vector<1x16xf32>
        %max3A_190 = arith.constant 0.000000e+00 : f32
        %max3A_191 = vector.broadcast %max3A_190 : f32 to vector<1x16xf32>
        %max3A_192 = arith.maximumf %add3A_189, %max3A_191 : vector<1x16xf32>
        %swap3A_193 = arith.index_cast %add3A_166 : i32 to index
        %swap3A_194 = arith.constant 16 : index
        %swap3A_195 = tpu.vector_load %arg9[%swap3A_193, %swap3A_194] {strides = array<i32>} : memref<40x128xf32, #tpu.memory_space<vmem>>, vector<1x16xf32>,
        %swap3A_196 = vector.shape_cast %swap3A_195 : vector<1x16xf32> to vector<1x16xf32>
        %swap3A_197 = vector.shape_cast %max3A_192 : vector<1x16xf32> to vector<1x16xf32>
        tpu.vector_store %arg9[%swap3A_193, %swap3A_194], %swap3A_197 {strides = array<i32>} : memref<40x128xf32, #tpu.memory_space<vmem>>, vector<1x16xf32>,
        %get3A_198 = arith.index_cast %add3A_166 : i32 to index
        %get3A_199 = arith.constant 32 : index
        %get3A_200 = tpu.vector_load %arg9[%get3A_198, %get3A_199] {strides = array<i32>} : memref<40x128xf32, #tpu.memory_space<vmem>>, vector<1x16xf32>,
        %get3A_201 = vector.shape_cast %get3A_200 : vector<1x16xf32> to vector<1x16xf32>
        %get3A_202 = arith.index_cast %add3A_166 : i32 to index
        %get3A_203 = arith.constant 32 : index
        %get3A_204 = tpu.vector_load %arg11[%get3A_202, %get3A_203] {strides = array<i32>} : memref<40x128xf32, #tpu.memory_space<vmem>>, vector<1x16xf32>,
        %get3A_205 = vector.shape_cast %get3A_204 : vector<1x16xf32> to vector<1x16xf32>
        %add3A_206 = arith.addf %get3A_201, %get3A_205 : vector<1x16xf32>
        %max3A_207 = arith.constant 0.000000e+00 : f32
        %max3A_208 = vector.broadcast %max3A_207 : f32 to vector<1x16xf32>
        %max3A_209 = arith.maximumf %add3A_206, %max3A_208 : vector<1x16xf32>
        %swap3A_210 = arith.index_cast %add3A_166 : i32 to index
        %swap3A_211 = arith.constant 32 : index
        %swap3A_212 = tpu.vector_load %arg9[%swap3A_210, %swap3A_211] {strides = array<i32>} : memref<40x128xf32, #tpu.memory_space<vmem>>, vector<1x16xf32>,
        %swap3A_213 = vector.shape_cast %swap3A_212 : vector<1x16xf32> to vector<1x16xf32>
        %swap3A_214 = vector.shape_cast %max3A_209 : vector<1x16xf32> to vector<1x16xf32>
        tpu.vector_store %arg9[%swap3A_210, %swap3A_211], %swap3A_214 {strides = array<i32>} : memref<40x128xf32, #tpu.memory_space<vmem>>, vector<1x16xf32>,
        %get3A_215 = arith.index_cast %add3A_166 : i32 to index
        %get3A_216 = arith.constant 48 : index
        %get3A_217 = tpu.vector_load %arg9[%get3A_215, %get3A_216] {strides = array<i32>} : memref<40x128xf32, #tpu.memory_space<vmem>>, vector<1x16xf32>,
        %get3A_218 = vector.shape_cast %get3A_217 : vector<1x16xf32> to vector<1x16xf32>
        %get3A_219 = arith.index_cast %add3A_166 : i32 to index
        %get3A_220 = arith.constant 48 : index
        %get3A_221 = tpu.vector_load %arg11[%get3A_219, %get3A_220] {strides = array<i32>} : memref<40x128xf32, #tpu.memory_space<vmem>>, vector<1x16xf32>,
        %get3A_222 = vector.shape_cast %get3A_221 : vector<1x16xf32> to vector<1x16xf32>
        %add3A_223 = arith.addf %get3A_218, %get3A_222 : vector<1x16xf32>
        %max3A_224 = arith.constant 0.000000e+00 : f32
        %max3A_225 = vector.broadcast %max3A_224 : f32 to vector<1x16xf32>
        %max3A_226 = arith.maximumf %add3A_223, %max3A_225 : vector<1x16xf32>
        %swap3A_227 = arith.index_cast %add3A_166 : i32 to index
        %swap3A_228 = arith.constant 48 : index
        %swap3A_229 = tpu.vector_load %arg9[%swap3A_227, %swap3A_228] {strides = array<i32>} : memref<40x128xf32, #tpu.memory_space<vmem>>, vector<1x16xf32>,
        %swap3A_230 = vector.shape_cast %swap3A_229 : vector<1x16xf32> to vector<1x16xf32>
        %swap3A_231 = vector.shape_cast %max3A_226 : vector<1x16xf32> to vector<1x16xf32>
        tpu.vector_store %arg9[%swap3A_227, %swap3A_228], %swap3A_231 {strides = array<i32>} : memref<40x128xf32, #tpu.memory_space<vmem>>, vector<1x16xf32>,
        %get3A_232 = arith.index_cast %add3A_166 : i32 to index
        %get3A_233 = arith.constant 64 : index
        %get3A_234 = tpu.vector_load %arg9[%get3A_232, %get3A_233] {strides = array<i32>} : memref<40x128xf32, #tpu.memory_space<vmem>>, vector<1x16xf32>,
        %get3A_235 = vector.shape_cast %get3A_234 : vector<1x16xf32> to vector<1x16xf32>
        %get3A_236 = arith.index_cast %add3A_166 : i32 to index
        %get3A_237 = arith.constant 64 : index
        %get3A_238 = tpu.vector_load %arg11[%get3A_236, %get3A_237] {strides = array<i32>} : memref<40x128xf32, #tpu.memory_space<vmem>>, vector<1x16xf32>,
        %get3A_239 = vector.shape_cast %get3A_238 : vector<1x16xf32> to vector<1x16xf32>
        %add3A_240 = arith.addf %get3A_235, %get3A_239 : vector<1x16xf32>
        %max3A_241 = arith.constant 0.000000e+00 : f32
        %max3A_242 = vector.broadcast %max3A_241 : f32 to vector<1x16xf32>
        %max3A_243 = arith.maximumf %add3A_240, %max3A_242 : vector<1x16xf32>
        %swap3A_244 = arith.index_cast %add3A_166 : i32 to index
        %swap3A_245 = arith.constant 64 : index
        %swap3A_246 = tpu.vector_load %arg9[%swap3A_244, %swap3A_245] {strides = array<i32>} : memref<40x128xf32, #tpu.memory_space<vmem>>, vector<1x16xf32>,
        %swap3A_247 = vector.shape_cast %swap3A_246 : vector<1x16xf32> to vector<1x16xf32>
        %swap3A_248 = vector.shape_cast %max3A_243 : vector<1x16xf32> to vector<1x16xf32>
        tpu.vector_store %arg9[%swap3A_244, %swap3A_245], %swap3A_248 {strides = array<i32>} : memref<40x128xf32, #tpu.memory_space<vmem>>, vector<1x16xf32>,
        %get3A_249 = arith.index_cast %add3A_166 : i32 to index
        %get3A_250 = arith.constant 80 : index
        %get3A_251 = tpu.vector_load %arg9[%get3A_249, %get3A_250] {strides = array<i32>} : memref<40x128xf32, #tpu.memory_space<vmem>>, vector<1x16xf32>,
        %get3A_252 = vector.shape_cast %get3A_251 : vector<1x16xf32> to vector<1x16xf32>
        %get3A_253 = arith.index_cast %add3A_166 : i32 to index
        %get3A_254 = arith.constant 80 : index
        %get3A_255 = tpu.vector_load %arg11[%get3A_253, %get3A_254] {strides = array<i32>} : memref<40x128xf32, #tpu.memory_space<vmem>>, vector<1x16xf32>,
        %get3A_256 = vector.shape_cast %get3A_255 : vector<1x16xf32> to vector<1x16xf32>
        %add3A_257 = arith.addf %get3A_252, %get3A_256 : vector<1x16xf32>
        %max3A_258 = arith.constant 0.000000e+00 : f32
        %max3A_259 = vector.broadcast %max3A_258 : f32 to vector<1x16xf32>
        %max3A_260 = arith.maximumf %add3A_257, %max3A_259 : vector<1x16xf32>
        %swap3A_261 = arith.index_cast %add3A_166 : i32 to index
        %swap3A_262 = arith.constant 80 : index
        %swap3A_263 = tpu.vector_load %arg9[%swap3A_261, %swap3A_262] {strides = array<i32>} : memref<40x128xf32, #tpu.memory_space<vmem>>, vector<1x16xf32>,
        %swap3A_264 = vector.shape_cast %swap3A_263 : vector<1x16xf32> to vector<1x16xf32>
        %swap3A_265 = vector.shape_cast %max3A_260 : vector<1x16xf32> to vector<1x16xf32>
        tpu.vector_store %arg9[%swap3A_261, %swap3A_262], %swap3A_265 {strides = array<i32>} : memref<40x128xf32, #tpu.memory_space<vmem>>, vector<1x16xf32>,
        %get3A_266 = arith.index_cast %add3A_166 : i32 to index
        %get3A_267 = arith.constant 96 : index
        %get3A_268 = tpu.vector_load %arg9[%get3A_266, %get3A_267] {strides = array<i32>} : memref<40x128xf32, #tpu.memory_space<vmem>>, vector<1x16xf32>,
        %get3A_269 = vector.shape_cast %get3A_268 : vector<1x16xf32> to vector<1x16xf32>
        %get3A_270 = arith.index_cast %add3A_166 : i32 to index
        %get3A_271 = arith.constant 96 : index
        %get3A_272 = tpu.vector_load %arg11[%get3A_270, %get3A_271] {strides = array<i32>} : memref<40x128xf32, #tpu.memory_space<vmem>>, vector<1x16xf32>,
        %get3A_273 = vector.shape_cast %get3A_272 : vector<1x16xf32> to vector<1x16xf32>
        %add3A_274 = arith.addf %get3A_269, %get3A_273 : vector<1x16xf32>
        %max3A_275 = arith.constant 0.000000e+00 : f32
        %max3A_276 = vector.broadcast %max3A_275 : f32 to vector<1x16xf32>
        %max3A_277 = arith.maximumf %add3A_274, %max3A_276 : vector<1x16xf32>
        %swap3A_278 = arith.index_cast %add3A_166 : i32 to index
        %swap3A_279 = arith.constant 96 : index
        %swap3A_280 = tpu.vector_load %arg9[%swap3A_278, %swap3A_279] {strides = array<i32>} : memref<40x128xf32, #tpu.memory_space<vmem>>, vector<1x16xf32>,
        %swap3A_281 = vector.shape_cast %swap3A_280 : vector<1x16xf32> to vector<1x16xf32>
        %swap3A_282 = vector.shape_cast %max3A_277 : vector<1x16xf32> to vector<1x16xf32>
        tpu.vector_store %arg9[%swap3A_278, %swap3A_279], %swap3A_282 {strides = array<i32>} : memref<40x128xf32, #tpu.memory_space<vmem>>, vector<1x16xf32>,
        %get3A_283 = arith.index_cast %add3A_166 : i32 to index
        %get3A_284 = arith.constant 112 : index
        %get3A_285 = tpu.vector_load %arg9[%get3A_283, %get3A_284] {strides = array<i32>} : memref<40x128xf32, #tpu.memory_space<vmem>>, vector<1x16xf32>,
        %get3A_286 = vector.shape_cast %get3A_285 : vector<1x16xf32> to vector<1x16xf32>
        %get3A_287 = arith.index_cast %add3A_166 : i32 to index
        %get3A_288 = arith.constant 112 : index
        %get3A_289 = tpu.vector_load %arg11[%get3A_287, %get3A_288] {strides = array<i32>} : memref<40x128xf32, #tpu.memory_space<vmem>>, vector<1x16xf32>,
        %get3A_290 = vector.shape_cast %get3A_289 : vector<1x16xf32> to vector<1x16xf32>
        %add3A_291 = arith.addf %get3A_286, %get3A_290 : vector<1x16xf32>
        %max3A_292 = arith.constant 0.000000e+00 : f32
        %max3A_293 = vector.broadcast %max3A_292 : f32 to vector<1x16xf32>
        %max3A_294 = arith.maximumf %add3A_291, %max3A_293 : vector<1x16xf32>
        %swap3A_295 = arith.index_cast %add3A_166 : i32 to index
        %swap3A_296 = arith.constant 112 : index
        %swap3A_297 = tpu.vector_load %arg9[%swap3A_295, %swap3A_296] {strides = array<i32>} : memref<40x128xf32, #tpu.memory_space<vmem>>, vector<1x16xf32>,
        %swap3A_298 = vector.shape_cast %swap3A_297 : vector<1x16xf32> to vector<1x16xf32>
        %swap3A_299 = vector.shape_cast %max3A_294 : vector<1x16xf32> to vector<1x16xf32>
        tpu.vector_store %arg9[%swap3A_295, %swap3A_296], %swap3A_299 {strides = array<i32>} : memref<40x128xf32, #tpu.memory_space<vmem>>, vector<1x16xf32>,
      }
      %scan3A_131 = arith.constant 40 : i32
      %run_scoped3A = arith.constant 48 : i32
      "tpu.region"() ({
        %run_scoped3A_162 = tpu.sem_alloc : memref<!tpu.dma_semaphore, #tpu.memory_space<semaphore_mem>>
        %dma_start3A_163 = arith.constant 0 : i32
        %dma_start3A_164 = tpu.memref_slice %arg8[%run_scoped3A, %dma_start3A_163] : memref<50x40xi32, #tpu.memory_space<vmem>> -> memref<1x40xi32, #tpu.memory_space<vmem>>
        %dma_start3A_165 = tpu.memref_squeeze %dma_start3A_164 : memref<1x40xi32, #tpu.memory_space<vmem>> -> memref<40xi32, #tpu.memory_space<vmem>>
        %dma_start3A_166 = arith.constant 0 : i32
        %dma_start3A_167 = arith.constant 0 : i32
        %dma_start3A_168 = tpu.memref_slice %arg13[%dma_start3A_166, %dma_start3A_167] : memref<10000x128xf32, #tpu.memory_space<vmem_shared>> -> memref<10000x128xf32, #tpu.memory_space<vmem_shared>>
        tpu.enqueue_indirect_dma source(%arg9 : memref<40x128xf32, #tpu.memory_space<vmem>>) target(%dma_start3A_168 : memref<10000x128xf32, #tpu.memory_space<vmem_shared>>) offsets(%dma_start3A_165 : memref<40xi32, #tpu.memory_space<vmem>>) semaphore(%run_scoped3A_162 : memref<!tpu.dma_semaphore, #tpu.memory_space<semaphore_mem>>) {add = true}
        %dma_wait3A_169 = arith.constant 0 : i32
        %dma_wait3A_170 = tpu.memref_slice %arg8[%run_scoped3A, %dma_wait3A_169] : memref<50x40xi32, #tpu.memory_space<vmem>> -> memref<1x40xi32, #tpu.memory_space<vmem>>
        %dma_wait3A_171 = tpu.memref_squeeze %dma_wait3A_170 : memref<1x40xi32, #tpu.memory_space<vmem>> -> memref<40xi32, #tpu.memory_space<vmem>>
        %dma_wait3A_172 = arith.constant 0 : i32
        %dma_wait3A_173 = arith.constant 0 : i32
        %dma_wait3A_174 = tpu.memref_slice %arg13[%dma_wait3A_172, %dma_wait3A_173] : memref<10000x128xf32, #tpu.memory_space<vmem_shared>> -> memref<10000x128xf32, #tpu.memory_space<vmem_shared>>
        tpu.wait_indirect_dma semaphore(%run_scoped3A_162 : memref<!tpu.dma_semaphore, #tpu.memory_space<semaphore_mem>>) src(%arg9 : memref<40x128xf32, #tpu.memory_space<vmem>>) dst(%dma_wait3A_174 : memref<10000x128xf32, #tpu.memory_space<vmem_shared>>)
        tpu.yield
      }) : () -> ()
      %dma_wait3A_132 = arith.constant 49 : i32
      %dma_wait3A_133 = arith.constant 0 : i32
      %dma_wait3A_134 = tpu.memref_slice %arg7[%dma_wait3A_132, %dma_wait3A_133] : memref<50x40xi32, #tpu.memory_space<vmem>> -> memref<1x40xi32, #tpu.memory_space<vmem>>
      %dma_wait3A_135 = tpu.memref_squeeze %dma_wait3A_134 : memref<1x40xi32, #tpu.memory_space<vmem>> -> memref<40xi32, #tpu.memory_space<vmem>>
      %dma_wait3A_136 = arith.constant 0 : i32
      %dma_wait3A_137 = arith.constant 0 : i32
      %dma_wait3A_138 = tpu.memref_slice %arg2[%dma_wait3A_136, %dma_wait3A_137] : memref<10000x128xf32, #tpu.memory_space<hbm>> -> memref<10000x128xf32, #tpu.memory_space<hbm>>
      tpu.wait_indirect_dma semaphore(%arg15 : memref<!tpu.dma_semaphore, #tpu.memory_space<semaphore_mem>>) src(%dma_wait3A_138 : memref<10000x128xf32, #tpu.memory_space<hbm>>) dst(%arg10 : memref<40x128xf32, #tpu.memory_space<vmem>>)
      %mul3A_139 = arith.constant 50 : i32
      %mul3A_140 = arith.muli %add3A_67, %mul3A_139 : i32
      %add3A_141 = arith.constant 49 : i32
      %add3A_142 = arith.addi %mul3A_140, %add3A_141 : i32
      %mul3A_143 = arith.constant 40 : i32
      %mul3A_144 = arith.muli %add3A_142, %mul3A_143 : i32
      %add3A_145 = arith.addi %mul3A_2, %mul3A_144 : i32
      %dma_wait3A_146 = arith.constant 0 : i32
      %dma_wait3A_147 = tpu.memref_slice %arg3[%add3A_145, %dma_wait3A_146] : memref<320000x128xf32, #tpu.memory_space<hbm>> -> memref<40x128xf32, #tpu.memory_space<hbm>>
      %dma_wait3A_148 = arith.constant 0 : i32
      %dma_wait3A_149 = tpu.memref_slice %arg3[%add3A_145, %dma_wait3A_148] : memref<320000x128xf32, #tpu.memory_space<hbm>> -> memref<40x128xf32, #tpu.memory_space<hbm>>
      tpu.wait_dma2 semaphore(%arg17 : memref<!tpu.dma_semaphore, #tpu.memory_space<semaphore_mem>>) src(%dma_wait3A_149 : memref<40x128xf32, #tpu.memory_space<hbm>>) dst(%arg12 : memref<40x128xf32, #tpu.memory_space<vmem>>)
      %scan3A_150 = arith.constant 0 : i32
      %scan3A_151 = arith.constant 40 : i32
      %scan3A_152 = arith.addi %scan3A_150, %scan3A_151 : i32
      %scan3A_153 = arith.constant 1 : i32
      scf.for %scan3A_162 = %scan3A_150 to %scan3A_152 step %scan3A_153  : i32 {
        %mul3A_163 = arith.constant 1 : i32
        %mul3A_164 = arith.muli %scan3A_162, %mul3A_163 : i32
        %add3A_165 = arith.constant 0 : i32
        %add3A_166 = arith.addi %add3A_165, %mul3A_164 : i32
        %get3A = arith.index_cast %add3A_166 : i32 to index
        %get3A_167 = arith.constant 0 : index
        %get3A_168 = tpu.vector_load %arg10[%get3A, %get3A_167] {strides = array<i32>} : memref<40x128xf32, #tpu.memory_space<vmem>>, vector<1x16xf32>,
        %get3A_169 = vector.shape_cast %get3A_168 : vector<1x16xf32> to vector<1x16xf32>
        %get3A_170 = arith.index_cast %add3A_166 : i32 to index
        %get3A_171 = arith.constant 0 : index
        %get3A_172 = tpu.vector_load %arg12[%get3A_170, %get3A_171] {strides = array<i32>} : memref<40x128xf32, #tpu.memory_space<vmem>>, vector<1x16xf32>,
        %get3A_173 = vector.shape_cast %get3A_172 : vector<1x16xf32> to vector<1x16xf32>
        %add3A_174 = arith.addf %get3A_169, %get3A_173 : vector<1x16xf32>
        %max3A = arith.constant 0.000000e+00 : f32
        %max3A_175 = vector.broadcast %max3A : f32 to vector<1x16xf32>
        %max3A_176 = arith.maximumf %add3A_174, %max3A_175 : vector<1x16xf32>
        %swap3A = arith.index_cast %add3A_166 : i32 to index
        %swap3A_177 = arith.constant 0 : index
        %swap3A_178 = tpu.vector_load %arg10[%swap3A, %swap3A_177] {strides = array<i32>} : memref<40x128xf32, #tpu.memory_space<vmem>>, vector<1x16xf32>,
        %swap3A_179 = vector.shape_cast %swap3A_178 : vector<1x16xf32> to vector<1x16xf32>
        %swap3A_180 = vector.shape_cast %max3A_176 : vector<1x16xf32> to vector<1x16xf32>
        tpu.vector_store %arg10[%swap3A, %swap3A_177], %swap3A_180 {strides = array<i32>} : memref<40x128xf32, #tpu.memory_space<vmem>>, vector<1x16xf32>,
        %get3A_181 = arith.index_cast %add3A_166 : i32 to index
        %get3A_182 = arith.constant 16 : index
        %get3A_183 = tpu.vector_load %arg10[%get3A_181, %get3A_182] {strides = array<i32>} : memref<40x128xf32, #tpu.memory_space<vmem>>, vector<1x16xf32>,
        %get3A_184 = vector.shape_cast %get3A_183 : vector<1x16xf32> to vector<1x16xf32>
        %get3A_185 = arith.index_cast %add3A_166 : i32 to index
        %get3A_186 = arith.constant 16 : index
        %get3A_187 = tpu.vector_load %arg12[%get3A_185, %get3A_186] {strides = array<i32>} : memref<40x128xf32, #tpu.memory_space<vmem>>, vector<1x16xf32>,
        %get3A_188 = vector.shape_cast %get3A_187 : vector<1x16xf32> to vector<1x16xf32>
        %add3A_189 = arith.addf %get3A_184, %get3A_188 : vector<1x16xf32>
        %max3A_190 = arith.constant 0.000000e+00 : f32
        %max3A_191 = vector.broadcast %max3A_190 : f32 to vector<1x16xf32>
        %max3A_192 = arith.maximumf %add3A_189, %max3A_191 : vector<1x16xf32>
        %swap3A_193 = arith.index_cast %add3A_166 : i32 to index
        %swap3A_194 = arith.constant 16 : index
        %swap3A_195 = tpu.vector_load %arg10[%swap3A_193, %swap3A_194] {strides = array<i32>} : memref<40x128xf32, #tpu.memory_space<vmem>>, vector<1x16xf32>,
        %swap3A_196 = vector.shape_cast %swap3A_195 : vector<1x16xf32> to vector<1x16xf32>
        %swap3A_197 = vector.shape_cast %max3A_192 : vector<1x16xf32> to vector<1x16xf32>
        tpu.vector_store %arg10[%swap3A_193, %swap3A_194], %swap3A_197 {strides = array<i32>} : memref<40x128xf32, #tpu.memory_space<vmem>>, vector<1x16xf32>,
        %get3A_198 = arith.index_cast %add3A_166 : i32 to index
        %get3A_199 = arith.constant 32 : index
        %get3A_200 = tpu.vector_load %arg10[%get3A_198, %get3A_199] {strides = array<i32>} : memref<40x128xf32, #tpu.memory_space<vmem>>, vector<1x16xf32>,
        %get3A_201 = vector.shape_cast %get3A_200 : vector<1x16xf32> to vector<1x16xf32>
        %get3A_202 = arith.index_cast %add3A_166 : i32 to index
        %get3A_203 = arith.constant 32 : index
        %get3A_204 = tpu.vector_load %arg12[%get3A_202, %get3A_203] {strides = array<i32>} : memref<40x128xf32, #tpu.memory_space<vmem>>, vector<1x16xf32>,
        %get3A_205 = vector.shape_cast %get3A_204 : vector<1x16xf32> to vector<1x16xf32>
        %add3A_206 = arith.addf %get3A_201, %get3A_205 : vector<1x16xf32>
        %max3A_207 = arith.constant 0.000000e+00 : f32
        %max3A_208 = vector.broadcast %max3A_207 : f32 to vector<1x16xf32>
        %max3A_209 = arith.maximumf %add3A_206, %max3A_208 : vector<1x16xf32>
        %swap3A_210 = arith.index_cast %add3A_166 : i32 to index
        %swap3A_211 = arith.constant 32 : index
        %swap3A_212 = tpu.vector_load %arg10[%swap3A_210, %swap3A_211] {strides = array<i32>} : memref<40x128xf32, #tpu.memory_space<vmem>>, vector<1x16xf32>,
        %swap3A_213 = vector.shape_cast %swap3A_212 : vector<1x16xf32> to vector<1x16xf32>
        %swap3A_214 = vector.shape_cast %max3A_209 : vector<1x16xf32> to vector<1x16xf32>
        tpu.vector_store %arg10[%swap3A_210, %swap3A_211], %swap3A_214 {strides = array<i32>} : memref<40x128xf32, #tpu.memory_space<vmem>>, vector<1x16xf32>,
        %get3A_215 = arith.index_cast %add3A_166 : i32 to index
        %get3A_216 = arith.constant 48 : index
        %get3A_217 = tpu.vector_load %arg10[%get3A_215, %get3A_216] {strides = array<i32>} : memref<40x128xf32, #tpu.memory_space<vmem>>, vector<1x16xf32>,
        %get3A_218 = vector.shape_cast %get3A_217 : vector<1x16xf32> to vector<1x16xf32>
        %get3A_219 = arith.index_cast %add3A_166 : i32 to index
        %get3A_220 = arith.constant 48 : index
        %get3A_221 = tpu.vector_load %arg12[%get3A_219, %get3A_220] {strides = array<i32>} : memref<40x128xf32, #tpu.memory_space<vmem>>, vector<1x16xf32>,
        %get3A_222 = vector.shape_cast %get3A_221 : vector<1x16xf32> to vector<1x16xf32>
        %add3A_223 = arith.addf %get3A_218, %get3A_222 : vector<1x16xf32>
        %max3A_224 = arith.constant 0.000000e+00 : f32
        %max3A_225 = vector.broadcast %max3A_224 : f32 to vector<1x16xf32>
        %max3A_226 = arith.maximumf %add3A_223, %max3A_225 : vector<1x16xf32>
        %swap3A_227 = arith.index_cast %add3A_166 : i32 to index
        %swap3A_228 = arith.constant 48 : index
        %swap3A_229 = tpu.vector_load %arg10[%swap3A_227, %swap3A_228] {strides = array<i32>} : memref<40x128xf32, #tpu.memory_space<vmem>>, vector<1x16xf32>,
        %swap3A_230 = vector.shape_cast %swap3A_229 : vector<1x16xf32> to vector<1x16xf32>
        %swap3A_231 = vector.shape_cast %max3A_226 : vector<1x16xf32> to vector<1x16xf32>
        tpu.vector_store %arg10[%swap3A_227, %swap3A_228], %swap3A_231 {strides = array<i32>} : memref<40x128xf32, #tpu.memory_space<vmem>>, vector<1x16xf32>,
        %get3A_232 = arith.index_cast %add3A_166 : i32 to index
        %get3A_233 = arith.constant 64 : index
        %get3A_234 = tpu.vector_load %arg10[%get3A_232, %get3A_233] {strides = array<i32>} : memref<40x128xf32, #tpu.memory_space<vmem>>, vector<1x16xf32>,
        %get3A_235 = vector.shape_cast %get3A_234 : vector<1x16xf32> to vector<1x16xf32>
        %get3A_236 = arith.index_cast %add3A_166 : i32 to index
        %get3A_237 = arith.constant 64 : index
        %get3A_238 = tpu.vector_load %arg12[%get3A_236, %get3A_237] {strides = array<i32>} : memref<40x128xf32, #tpu.memory_space<vmem>>, vector<1x16xf32>,
        %get3A_239 = vector.shape_cast %get3A_238 : vector<1x16xf32> to vector<1x16xf32>
        %add3A_240 = arith.addf %get3A_235, %get3A_239 : vector<1x16xf32>
        %max3A_241 = arith.constant 0.000000e+00 : f32
        %max3A_242 = vector.broadcast %max3A_241 : f32 to vector<1x16xf32>
        %max3A_243 = arith.maximumf %add3A_240, %max3A_242 : vector<1x16xf32>
        %swap3A_244 = arith.index_cast %add3A_166 : i32 to index
        %swap3A_245 = arith.constant 64 : index
        %swap3A_246 = tpu.vector_load %arg10[%swap3A_244, %swap3A_245] {strides = array<i32>} : memref<40x128xf32, #tpu.memory_space<vmem>>, vector<1x16xf32>,
        %swap3A_247 = vector.shape_cast %swap3A_246 : vector<1x16xf32> to vector<1x16xf32>
        %swap3A_248 = vector.shape_cast %max3A_243 : vector<1x16xf32> to vector<1x16xf32>
        tpu.vector_store %arg10[%swap3A_244, %swap3A_245], %swap3A_248 {strides = array<i32>} : memref<40x128xf32, #tpu.memory_space<vmem>>, vector<1x16xf32>,
        %get3A_249 = arith.index_cast %add3A_166 : i32 to index
        %get3A_250 = arith.constant 80 : index
        %get3A_251 = tpu.vector_load %arg10[%get3A_249, %get3A_250] {strides = array<i32>} : memref<40x128xf32, #tpu.memory_space<vmem>>, vector<1x16xf32>,
        %get3A_252 = vector.shape_cast %get3A_251 : vector<1x16xf32> to vector<1x16xf32>
        %get3A_253 = arith.index_cast %add3A_166 : i32 to index
        %get3A_254 = arith.constant 80 : index
        %get3A_255 = tpu.vector_load %arg12[%get3A_253, %get3A_254] {strides = array<i32>} : memref<40x128xf32, #tpu.memory_space<vmem>>, vector<1x16xf32>,
        %get3A_256 = vector.shape_cast %get3A_255 : vector<1x16xf32> to vector<1x16xf32>
        %add3A_257 = arith.addf %get3A_252, %get3A_256 : vector<1x16xf32>
        %max3A_258 = arith.constant 0.000000e+00 : f32
        %max3A_259 = vector.broadcast %max3A_258 : f32 to vector<1x16xf32>
        %max3A_260 = arith.maximumf %add3A_257, %max3A_259 : vector<1x16xf32>
        %swap3A_261 = arith.index_cast %add3A_166 : i32 to index
        %swap3A_262 = arith.constant 80 : index
        %swap3A_263 = tpu.vector_load %arg10[%swap3A_261, %swap3A_262] {strides = array<i32>} : memref<40x128xf32, #tpu.memory_space<vmem>>, vector<1x16xf32>,
        %swap3A_264 = vector.shape_cast %swap3A_263 : vector<1x16xf32> to vector<1x16xf32>
        %swap3A_265 = vector.shape_cast %max3A_260 : vector<1x16xf32> to vector<1x16xf32>
        tpu.vector_store %arg10[%swap3A_261, %swap3A_262], %swap3A_265 {strides = array<i32>} : memref<40x128xf32, #tpu.memory_space<vmem>>, vector<1x16xf32>,
        %get3A_266 = arith.index_cast %add3A_166 : i32 to index
        %get3A_267 = arith.constant 96 : index
        %get3A_268 = tpu.vector_load %arg10[%get3A_266, %get3A_267] {strides = array<i32>} : memref<40x128xf32, #tpu.memory_space<vmem>>, vector<1x16xf32>,
        %get3A_269 = vector.shape_cast %get3A_268 : vector<1x16xf32> to vector<1x16xf32>
        %get3A_270 = arith.index_cast %add3A_166 : i32 to index
        %get3A_271 = arith.constant 96 : index
        %get3A_272 = tpu.vector_load %arg12[%get3A_270, %get3A_271] {strides = array<i32>} : memref<40x128xf32, #tpu.memory_space<vmem>>, vector<1x16xf32>,
        %get3A_273 = vector.shape_cast %get3A_272 : vector<1x16xf32> to vector<1x16xf32>
        %add3A_274 = arith.addf %get3A_269, %get3A_273 : vector<1x16xf32>
        %max3A_275 = arith.constant 0.000000e+00 : f32
        %max3A_276 = vector.broadcast %max3A_275 : f32 to vector<1x16xf32>
        %max3A_277 = arith.maximumf %add3A_274, %max3A_276 : vector<1x16xf32>
        %swap3A_278 = arith.index_cast %add3A_166 : i32 to index
        %swap3A_279 = arith.constant 96 : index
        %swap3A_280 = tpu.vector_load %arg10[%swap3A_278, %swap3A_279] {strides = array<i32>} : memref<40x128xf32, #tpu.memory_space<vmem>>, vector<1x16xf32>,
        %swap3A_281 = vector.shape_cast %swap3A_280 : vector<1x16xf32> to vector<1x16xf32>
        %swap3A_282 = vector.shape_cast %max3A_277 : vector<1x16xf32> to vector<1x16xf32>
        tpu.vector_store %arg10[%swap3A_278, %swap3A_279], %swap3A_282 {strides = array<i32>} : memref<40x128xf32, #tpu.memory_space<vmem>>, vector<1x16xf32>,
        %get3A_283 = arith.index_cast %add3A_166 : i32 to index
        %get3A_284 = arith.constant 112 : index
        %get3A_285 = tpu.vector_load %arg10[%get3A_283, %get3A_284] {strides = array<i32>} : memref<40x128xf32, #tpu.memory_space<vmem>>, vector<1x16xf32>,
        %get3A_286 = vector.shape_cast %get3A_285 : vector<1x16xf32> to vector<1x16xf32>
        %get3A_287 = arith.index_cast %add3A_166 : i32 to index
        %get3A_288 = arith.constant 112 : index
        %get3A_289 = tpu.vector_load %arg12[%get3A_287, %get3A_288] {strides = array<i32>} : memref<40x128xf32, #tpu.memory_space<vmem>>, vector<1x16xf32>,
        %get3A_290 = vector.shape_cast %get3A_289 : vector<1x16xf32> to vector<1x16xf32>
        %add3A_291 = arith.addf %get3A_286, %get3A_290 : vector<1x16xf32>
        %max3A_292 = arith.constant 0.000000e+00 : f32
        %max3A_293 = vector.broadcast %max3A_292 : f32 to vector<1x16xf32>
        %max3A_294 = arith.maximumf %add3A_291, %max3A_293 : vector<1x16xf32>
        %swap3A_295 = arith.index_cast %add3A_166 : i32 to index
        %swap3A_296 = arith.constant 112 : index
        %swap3A_297 = tpu.vector_load %arg10[%swap3A_295, %swap3A_296] {strides = array<i32>} : memref<40x128xf32, #tpu.memory_space<vmem>>, vector<1x16xf32>,
        %swap3A_298 = vector.shape_cast %swap3A_297 : vector<1x16xf32> to vector<1x16xf32>
        %swap3A_299 = vector.shape_cast %max3A_294 : vector<1x16xf32> to vector<1x16xf32>
        tpu.vector_store %arg10[%swap3A_295, %swap3A_296], %swap3A_299 {strides = array<i32>} : memref<40x128xf32, #tpu.memory_space<vmem>>, vector<1x16xf32>,
      }
      %scan3A_154 = arith.constant 40 : i32
      %run_scoped3A_155 = arith.constant 49 : i32
      "tpu.region"() ({
        %run_scoped3A_162 = tpu.sem_alloc : memref<!tpu.dma_semaphore, #tpu.memory_space<semaphore_mem>>
        %dma_start3A_163 = arith.constant 0 : i32
        %dma_start3A_164 = tpu.memref_slice %arg8[%run_scoped3A_155, %dma_start3A_163] : memref<50x40xi32, #tpu.memory_space<vmem>> -> memref<1x40xi32, #tpu.memory_space<vmem>>
        %dma_start3A_165 = tpu.memref_squeeze %dma_start3A_164 : memref<1x40xi32, #tpu.memory_space<vmem>> -> memref<40xi32, #tpu.memory_space<vmem>>
        %dma_start3A_166 = arith.constant 0 : i32
        %dma_start3A_167 = arith.constant 0 : i32
        %dma_start3A_168 = tpu.memref_slice %arg13[%dma_start3A_166, %dma_start3A_167] : memref<10000x128xf32, #tpu.memory_space<vmem_shared>> -> memref<10000x128xf32, #tpu.memory_space<vmem_shared>>
        tpu.enqueue_indirect_dma source(%arg10 : memref<40x128xf32, #tpu.memory_space<vmem>>) target(%dma_start3A_168 : memref<10000x128xf32, #tpu.memory_space<vmem_shared>>) offsets(%dma_start3A_165 : memref<40xi32, #tpu.memory_space<vmem>>) semaphore(%run_scoped3A_162 : memref<!tpu.dma_semaphore, #tpu.memory_space<semaphore_mem>>) {add = true}
        %dma_wait3A_169 = arith.constant 0 : i32
        %dma_wait3A_170 = tpu.memref_slice %arg8[%run_scoped3A_155, %dma_wait3A_169] : memref<50x40xi32, #tpu.memory_space<vmem>> -> memref<1x40xi32, #tpu.memory_space<vmem>>
        %dma_wait3A_171 = tpu.memref_squeeze %dma_wait3A_170 : memref<1x40xi32, #tpu.memory_space<vmem>> -> memref<40xi32, #tpu.memory_space<vmem>>
        %dma_wait3A_172 = arith.constant 0 : i32
        %dma_wait3A_173 = arith.constant 0 : i32
        %dma_wait3A_174 = tpu.memref_slice %arg13[%dma_wait3A_172, %dma_wait3A_173] : memref<10000x128xf32, #tpu.memory_space<vmem_shared>> -> memref<10000x128xf32, #tpu.memory_space<vmem_shared>>
        tpu.wait_indirect_dma semaphore(%run_scoped3A_162 : memref<!tpu.dma_semaphore, #tpu.memory_space<semaphore_mem>>) src(%arg10 : memref<40x128xf32, #tpu.memory_space<vmem>>) dst(%dma_wait3A_174 : memref<10000x128xf32, #tpu.memory_space<vmem_shared>>)
        tpu.yield
      }) : () -> ()
      %add3A_156 = arith.constant 1 : i32
      %add3A_157 = arith.addi %add3A_67, %add3A_156 : i32
      %lt3A = arith.constant 5 : i32
      %lt3A_158 = arith.cmpi slt, %add3A_157, %lt3A : i32
      %convert_element_type3A_159 = arith.extui %lt3A_158 : i1 to i32
      %cond3A_160 = arith.constant 0 : i32
      %cond3A_161 = arith.cmpi ne, %convert_element_type3A_159, %cond3A_160 : i32
      scf.if %cond3A_161 {
        %add3A_162 = arith.constant 1 : i32
        %add3A_163 = arith.addi %add3A_67, %add3A_162 : i32
        "tpu.region"() ({
          %run_scoped3A_166 = tpu.sem_alloc : memref<!tpu.dma_semaphore, #tpu.memory_space<semaphore_mem>>
          %dma_start3A_167 = arith.constant 0 : i32
          %dma_start3A_168 = arith.constant 0 : i32
          %dma_start3A_169 = tpu.memref_slice %arg4[%add3A, %add3A_163, %dma_start3A_167, %dma_start3A_168] : memref<32x5x50x40xi32, #tpu.memory_space<hbm>> -> memref<1x1x50x40xi32, #tpu.memory_space<hbm>>
          %dma_start3A_170 = tpu.memref_squeeze %dma_start3A_169 : memref<1x1x50x40xi32, #tpu.memory_space<hbm>> -> memref<50x40xi32, #tpu.memory_space<hbm>>
          %dma_start3A_171 = arith.constant 0 : i32
          %dma_start3A_172 = arith.constant 0 : i32
          %dma_start3A_173 = tpu.memref_slice %arg4[%add3A, %add3A_163, %dma_start3A_171, %dma_start3A_172] : memref<32x5x50x40xi32, #tpu.memory_space<hbm>> -> memref<1x1x50x40xi32, #tpu.memory_space<hbm>>
          %dma_start3A_174 = tpu.memref_squeeze %dma_start3A_173 : memref<1x1x50x40xi32, #tpu.memory_space<hbm>> -> memref<50x40xi32, #tpu.memory_space<hbm>>
          tpu.enqueue_dma source(%dma_start3A_174 : memref<50x40xi32, #tpu.memory_space<hbm>>) target(%arg7 : memref<50x40xi32, #tpu.memory_space<vmem>>) target_semaphore(%run_scoped3A_166 : memref<!tpu.dma_semaphore, #tpu.memory_space<semaphore_mem>>)
          %dma_wait3A_175 = arith.constant 0 : i32
          %dma_wait3A_176 = arith.constant 0 : i32
          %dma_wait3A_177 = tpu.memref_slice %arg4[%add3A, %add3A_163, %dma_wait3A_175, %dma_wait3A_176] : memref<32x5x50x40xi32, #tpu.memory_space<hbm>> -> memref<1x1x50x40xi32, #tpu.memory_space<hbm>>
          %dma_wait3A_178 = tpu.memref_squeeze %dma_wait3A_177 : memref<1x1x50x40xi32, #tpu.memory_space<hbm>> -> memref<50x40xi32, #tpu.memory_space<hbm>>
          %dma_wait3A_179 = arith.constant 0 : i32
          %dma_wait3A_180 = arith.constant 0 : i32
          %dma_wait3A_181 = tpu.memref_slice %arg4[%add3A, %add3A_163, %dma_wait3A_179, %dma_wait3A_180] : memref<32x5x50x40xi32, #tpu.memory_space<hbm>> -> memref<1x1x50x40xi32, #tpu.memory_space<hbm>>
          %dma_wait3A_182 = tpu.memref_squeeze %dma_wait3A_181 : memref<1x1x50x40xi32, #tpu.memory_space<hbm>> -> memref<50x40xi32, #tpu.memory_space<hbm>>
          tpu.wait_dma2 semaphore(%run_scoped3A_166 : memref<!tpu.dma_semaphore, #tpu.memory_space<semaphore_mem>>) src(%dma_wait3A_182 : memref<50x40xi32, #tpu.memory_space<hbm>>) dst(%arg7 : memref<50x40xi32, #tpu.memory_space<vmem>>)
          tpu.yield
        }) : () -> ()
        %add3A_164 = arith.constant 1 : i32
        %add3A_165 = arith.addi %add3A_67, %add3A_164 : i32
        "tpu.region"() ({
          %run_scoped3A_166 = tpu.sem_alloc : memref<!tpu.dma_semaphore, #tpu.memory_space<semaphore_mem>>
          %dma_start3A_167 = arith.constant 0 : i32
          %dma_start3A_168 = arith.constant 0 : i32
          %dma_start3A_169 = tpu.memref_slice %arg5[%add3A, %add3A_165, %dma_start3A_167, %dma_start3A_168] : memref<32x5x50x40xi32, #tpu.memory_space<hbm>> -> memref<1x1x50x40xi32, #tpu.memory_space<hbm>>
          %dma_start3A_170 = tpu.memref_squeeze %dma_start3A_169 : memref<1x1x50x40xi32, #tpu.memory_space<hbm>> -> memref<50x40xi32, #tpu.memory_space<hbm>>
          %dma_start3A_171 = arith.constant 0 : i32
          %dma_start3A_172 = arith.constant 0 : i32
          %dma_start3A_173 = tpu.memref_slice %arg5[%add3A, %add3A_165, %dma_start3A_171, %dma_start3A_172] : memref<32x5x50x40xi32, #tpu.memory_space<hbm>> -> memref<1x1x50x40xi32, #tpu.memory_space<hbm>>
          %dma_start3A_174 = tpu.memref_squeeze %dma_start3A_173 : memref<1x1x50x40xi32, #tpu.memory_space<hbm>> -> memref<50x40xi32, #tpu.memory_space<hbm>>
          tpu.enqueue_dma source(%dma_start3A_174 : memref<50x40xi32, #tpu.memory_space<hbm>>) target(%arg8 : memref<50x40xi32, #tpu.memory_space<vmem>>) target_semaphore(%run_scoped3A_166 : memref<!tpu.dma_semaphore, #tpu.memory_space<semaphore_mem>>)
          %dma_wait3A_175 = arith.constant 0 : i32
          %dma_wait3A_176 = arith.constant 0 : i32
          %dma_wait3A_177 = tpu.memref_slice %arg5[%add3A, %add3A_165, %dma_wait3A_175, %dma_wait3A_176] : memref<32x5x50x40xi32, #tpu.memory_space<hbm>> -> memref<1x1x50x40xi32, #tpu.memory_space<hbm>>
          %dma_wait3A_178 = tpu.memref_squeeze %dma_wait3A_177 : memref<1x1x50x40xi32, #tpu.memory_space<hbm>> -> memref<50x40xi32, #tpu.memory_space<hbm>>
          %dma_wait3A_179 = arith.constant 0 : i32
          %dma_wait3A_180 = arith.constant 0 : i32
          %dma_wait3A_181 = tpu.memref_slice %arg5[%add3A, %add3A_165, %dma_wait3A_179, %dma_wait3A_180] : memref<32x5x50x40xi32, #tpu.memory_space<hbm>> -> memref<1x1x50x40xi32, #tpu.memory_space<hbm>>
          %dma_wait3A_182 = tpu.memref_squeeze %dma_wait3A_181 : memref<1x1x50x40xi32, #tpu.memory_space<hbm>> -> memref<50x40xi32, #tpu.memory_space<hbm>>
          tpu.wait_dma2 semaphore(%run_scoped3A_166 : memref<!tpu.dma_semaphore, #tpu.memory_space<semaphore_mem>>) src(%dma_wait3A_182 : memref<50x40xi32, #tpu.memory_space<hbm>>) dst(%arg8 : memref<50x40xi32, #tpu.memory_space<vmem>>)
          tpu.yield
        }) : () -> ()
      } else {
      }
    }
    %scan3A_56 = arith.constant 5 : i32
    %barrier3A_57 = arith.constant 0 : index
    tpu.barrier barrier_id(%barrier3A_57)
    "tpu.region"() ({
      %run_scoped3A = tpu.sem_alloc : memref<!tpu.dma_semaphore, #tpu.memory_space<semaphore_mem>>
      %dma_start3A_63 = arith.constant 0 : i32
      %dma_start3A_64 = arith.constant 0 : i32
      %dma_start3A_65 = tpu.memref_slice %arg6[%arg0, %dma_start3A_63, %dma_start3A_64] : memref<2x10000x128xf32, #tpu.memory_space<hbm>> -> memref<1x10000x128xf32, #tpu.memory_space<hbm>>
      %dma_start3A_66 = tpu.memref_squeeze %dma_start3A_65 : memref<1x10000x128xf32, #tpu.memory_space<hbm>> -> memref<10000x128xf32, #tpu.memory_space<hbm>>
      %dma_start3A_67 = arith.constant 0 : i32
      %dma_start3A_68 = tpu.memref_slice %dma_start3A_66[%mul3A_25, %dma_start3A_67] : memref<10000x128xf32, #tpu.memory_space<hbm>> -> memref<624x128xf32, #tpu.memory_space<hbm>>
      %dma_start3A_69 = arith.constant 0 : i32
      %dma_start3A_70 = tpu.memref_slice %arg13[%mul3A_25, %dma_start3A_69] : memref<10000x128xf32, #tpu.memory_space<vmem_shared>> -> memref<624x128xf32, #tpu.memory_space<vmem_shared>>
      tpu.enqueue_dma source(%dma_start3A_70 : memref<624x128xf32, #tpu.memory_space<vmem_shared>>) target(%dma_start3A_68 : memref<624x128xf32, #tpu.memory_space<hbm>>) target_semaphore(%run_scoped3A : memref<!tpu.dma_semaphore, #tpu.memory_space<semaphore_mem>>)
      %dma_wait3A_71 = arith.constant 0 : i32
      %dma_wait3A_72 = arith.constant 0 : i32
      %dma_wait3A_73 = tpu.memref_slice %arg6[%arg0, %dma_wait3A_71, %dma_wait3A_72] : memref<2x10000x128xf32, #tpu.memory_space<hbm>> -> memref<1x10000x128xf32, #tpu.memory_space<hbm>>
      %dma_wait3A_74 = tpu.memref_squeeze %dma_wait3A_73 : memref<1x10000x128xf32, #tpu.memory_space<hbm>> -> memref<10000x128xf32, #tpu.memory_space<hbm>>
      %dma_wait3A_75 = arith.constant 0 : i32
      %dma_wait3A_76 = tpu.memref_slice %dma_wait3A_74[%mul3A_25, %dma_wait3A_75] : memref<10000x128xf32, #tpu.memory_space<hbm>> -> memref<624x128xf32, #tpu.memory_space<hbm>>
      %dma_wait3A_77 = arith.constant 0 : i32
      %dma_wait3A_78 = tpu.memref_slice %arg13[%mul3A_25, %dma_wait3A_77] : memref<10000x128xf32, #tpu.memory_space<vmem_shared>> -> memref<624x128xf32, #tpu.memory_space<vmem_shared>>
      tpu.wait_dma2 semaphore(%run_scoped3A : memref<!tpu.dma_semaphore, #tpu.memory_space<semaphore_mem>>) src(%dma_wait3A_78 : memref<624x128xf32, #tpu.memory_space<vmem_shared>>) dst(%dma_wait3A_76 : memref<624x128xf32, #tpu.memory_space<hbm>>)
      tpu.yield
    }) : () -> ()
    %eq3A_58 = arith.constant 15 : i32
    %eq3A_59 = arith.cmpi eq, %arg1, %eq3A_58 : i32
    %convert_element_type3A_60 = arith.extui %eq3A_59 : i1 to i32
    %cond3A_61 = arith.constant 0 : i32
    %cond3A_62 = arith.cmpi ne, %convert_element_type3A_60, %cond3A_61 : i32
    scf.if %cond3A_62 {
      "tpu.region"() ({
        %run_scoped3A = tpu.sem_alloc : memref<!tpu.dma_semaphore, #tpu.memory_space<semaphore_mem>>
        %dma_start3A_63 = arith.constant 0 : i32
        %dma_start3A_64 = arith.constant 0 : i32
        %dma_start3A_65 = tpu.memref_slice %arg6[%arg0, %dma_start3A_63, %dma_start3A_64] : memref<2x10000x128xf32, #tpu.memory_space<hbm>> -> memref<1x10000x128xf32, #tpu.memory_space<hbm>>
        %dma_start3A_66 = tpu.memref_squeeze %dma_start3A_65 : memref<1x10000x128xf32, #tpu.memory_space<hbm>> -> memref<10000x128xf32, #tpu.memory_space<hbm>>
        %dma_start3A_67 = arith.constant 9984 : i32
        %dma_start3A_68 = arith.constant 0 : i32
        %dma_start3A_69 = tpu.memref_slice %dma_start3A_66[%dma_start3A_67, %dma_start3A_68] : memref<10000x128xf32, #tpu.memory_space<hbm>> -> memref<16x128xf32, #tpu.memory_space<hbm>>
        %dma_start3A_70 = arith.constant 9984 : i32
        %dma_start3A_71 = arith.constant 0 : i32
        %dma_start3A_72 = tpu.memref_slice %arg13[%dma_start3A_70, %dma_start3A_71] : memref<10000x128xf32, #tpu.memory_space<vmem_shared>> -> memref<16x128xf32, #tpu.memory_space<vmem_shared>>
        tpu.enqueue_dma source(%dma_start3A_72 : memref<16x128xf32, #tpu.memory_space<vmem_shared>>) target(%dma_start3A_69 : memref<16x128xf32, #tpu.memory_space<hbm>>) target_semaphore(%run_scoped3A : memref<!tpu.dma_semaphore, #tpu.memory_space<semaphore_mem>>)
        %dma_wait3A_73 = arith.constant 0 : i32
        %dma_wait3A_74 = arith.constant 0 : i32
        %dma_wait3A_75 = tpu.memref_slice %arg6[%arg0, %dma_wait3A_73, %dma_wait3A_74] : memref<2x10000x128xf32, #tpu.memory_space<hbm>> -> memref<1x10000x128xf32, #tpu.memory_space<hbm>>
        %dma_wait3A_76 = tpu.memref_squeeze %dma_wait3A_75 : memref<1x10000x128xf32, #tpu.memory_space<hbm>> -> memref<10000x128xf32, #tpu.memory_space<hbm>>
        %dma_wait3A_77 = arith.constant 9984 : i32
        %dma_wait3A_78 = arith.constant 0 : i32
        %dma_wait3A_79 = tpu.memref_slice %dma_wait3A_76[%dma_wait3A_77, %dma_wait3A_78] : memref<10000x128xf32, #tpu.memory_space<hbm>> -> memref<16x128xf32, #tpu.memory_space<hbm>>
        %dma_wait3A_80 = arith.constant 9984 : i32
        %dma_wait3A_81 = arith.constant 0 : i32
        %dma_wait3A_82 = tpu.memref_slice %arg13[%dma_wait3A_80, %dma_wait3A_81] : memref<10000x128xf32, #tpu.memory_space<vmem_shared>> -> memref<16x128xf32, #tpu.memory_space<vmem_shared>>
        tpu.wait_dma2 semaphore(%run_scoped3A : memref<!tpu.dma_semaphore, #tpu.memory_space<semaphore_mem>>) src(%dma_wait3A_82 : memref<16x128xf32, #tpu.memory_space<vmem_shared>>) dst(%dma_wait3A_79 : memref<16x128xf32, #tpu.memory_space<hbm>>)
        tpu.yield
      }) : () -> ()
    } else {
    }
    return
  }
}

module attributes {stable_mosaic.version = 14 : i64} {
  func.func @_node_proj_body(%arg0: i32, %arg1: memref<2000x142xf32, #tpu.memory_space<vmem>>, %arg2: memref<142x128xf32, #tpu.memory_space<vmem>>, %arg3: memref<2000x128xf32, #tpu.memory_space<vmem>>) attributes {dimension_semantics = [#tpu.dimension_semantics<arbitrary>], iteration_bounds = array<i64: 5>, scalar_prefetch = 0 : i64, scratch_operands = 0 : i64, tpu.core_type = #tpu.core_type<tc>, window_params = [{transform_indices = @transform_0, window_bounds = array<i64: 2000, 142>}, {pipeline_mode = #tpu.pipeline_mode<synchronous>, transform_indices = @transform_1, window_bounds = array<i64: 142, 128>}, {transform_indices = @transform_2, window_bounds = array<i64: 2000, 128>}]} {
    %get3A = arith.constant 0 : index
    %get3A_0 = arith.constant 0 : index
    %get3A_1 = vector.load %arg1[%get3A, %get3A_0] : memref<2000x142xf32, #tpu.memory_space<vmem>>, vector<2000x142xf32>
    %get3A_2 = arith.constant 0 : index
    %get3A_3 = arith.constant 0 : index
    %get3A_4 = vector.load %arg2[%get3A_2, %get3A_3] : memref<142x128xf32, #tpu.memory_space<vmem>>, vector<142x128xf32>
    %dot_general3A = arith.constant dense<0.000000e+00> : vector<2000x128xf32>
    %dot_general3A_5 = tpu.matmul %get3A_1, %get3A_4, %dot_general3A {dimension_numbers = #tpu.dot_dimension_numbers<[1], [0], [0], [1], [0, 0, 1, 1], [], []>, transpose_lhs_hint = false} : vector<2000x142xf32>, vector<142x128xf32>, vector<2000x128xf32> -> vector<2000x128xf32>
    %swap3A = arith.constant 0 : index
    %swap3A_6 = arith.constant 0 : index
    %swap3A_7 = vector.load %arg3[%swap3A, %swap3A_6] : memref<2000x128xf32, #tpu.memory_space<vmem>>, vector<2000x128xf32>
    tpu.vector_store %arg3[%swap3A, %swap3A_6], %dot_general3A_5 {strides = array<i32>} : memref<2000x128xf32, #tpu.memory_space<vmem>>, vector<2000x128xf32>,
    return
  }
  func.func @transform_0(%arg0: i32) -> (i32, i32) {
    %c0_i32 = arith.constant 0 : i32
    %c0_i32_0 = arith.constant 0 : i32
    return %arg0, %c0_i32 : i32, i32
  }
  func.func @transform_1(%arg0: i32) -> (i32, i32) {
    %c0_i32 = arith.constant 0 : i32
    %c0_i32_0 = arith.constant 0 : i32
    %c0_i32_1 = arith.constant 0 : i32
    return %c0_i32, %c0_i32_0 : i32, i32
  }
  func.func @transform_2(%arg0: i32) -> (i32, i32) {
    %c0_i32 = arith.constant 0 : i32
    %c0_i32_0 = arith.constant 0 : i32
    return %arg0, %c0_i32 : i32, i32
  }
}

module attributes {stable_mosaic.version = 14 : i64} {
  func.func @_edge_q_body(%arg0: i32, %arg1: memref<6400x5xf32, #tpu.memory_space<vmem>>, %arg2: memref<1x6400xf32, #tpu.memory_space<vmem>>, %arg3: memref<10x1xf32, #tpu.memory_space<vmem>>, %arg4: memref<5x128xf32, #tpu.memory_space<vmem>>, %arg5: memref<10x128xf32, #tpu.memory_space<vmem>>, %arg6: memref<10x128xf32, #tpu.memory_space<vmem>>, %arg7: memref<1x128xf32, #tpu.memory_space<vmem>>, %arg8: memref<6400x128xf32, #tpu.memory_space<vmem>>) attributes {dimension_semantics = [#tpu.dimension_semantics<arbitrary>], iteration_bounds = array<i64: 50>, scalar_prefetch = 0 : i64, scratch_operands = 0 : i64, tpu.core_type = #tpu.core_type<tc>, window_params = [{transform_indices = @transform_0, window_bounds = array<i64: 6400, 5>}, {transform_indices = @transform_1, window_bounds = array<i64: 1, 6400>}, {pipeline_mode = #tpu.pipeline_mode<synchronous>, transform_indices = @transform_2, window_bounds = array<i64: 10, 1>}, {pipeline_mode = #tpu.pipeline_mode<synchronous>, transform_indices = @transform_3, window_bounds = array<i64: 5, 128>}, {pipeline_mode = #tpu.pipeline_mode<synchronous>, transform_indices = @transform_4, window_bounds = array<i64: 10, 128>}, {pipeline_mode = #tpu.pipeline_mode<synchronous>, transform_indices = @transform_5, window_bounds = array<i64: 10, 128>}, {pipeline_mode = #tpu.pipeline_mode<synchronous>, transform_indices = @transform_6, window_bounds = array<i64: 1, 128>}, {transform_indices = @transform_7, window_bounds = array<i64: 6400, 128>}]} {
    %get3A = arith.constant 0 : index
    %get3A_0 = arith.constant 0 : index
    %get3A_1 = vector.load %arg3[%get3A, %get3A_0] : memref<10x1xf32, #tpu.memory_space<vmem>>, vector<10x1xf32>
    %get3A_2 = arith.constant 0 : index
    %get3A_3 = arith.constant 0 : index
    %get3A_4 = vector.load %arg2[%get3A_2, %get3A_3] : memref<1x6400xf32, #tpu.memory_space<vmem>>, vector<1x6400xf32>
    %mul3A = vector.broadcast %get3A_1 : vector<10x1xf32> to vector<10x6400xf32>
    %mul3A_5 = vector.broadcast %get3A_4 : vector<1x6400xf32> to vector<10x6400xf32>
    %mul3A_6 = arith.mulf %mul3A, %mul3A_5 : vector<10x6400xf32>
    %mul3A_7 = arith.constant 0.636619746 : f32
    %mul3A_8 = vector.broadcast %mul3A_7 : f32 to vector<10x6400xf32>
    %mul3A_9 = arith.mulf %mul3A_6, %mul3A_8 : vector<10x6400xf32>
    %add3A = arith.constant 5.000000e-01 : f32
    %add3A_10 = vector.broadcast %add3A : f32 to vector<10x6400xf32>
    %add3A_11 = arith.addf %mul3A_9, %add3A_10 : vector<10x6400xf32>
    %floor3A = math.floor %add3A_11 : vector<10x6400xf32>
    %mul3A_12 = arith.constant 1.57080078 : f32
    %mul3A_13 = vector.broadcast %mul3A_12 : f32 to vector<10x6400xf32>
    %mul3A_14 = arith.mulf %floor3A, %mul3A_13 : vector<10x6400xf32>
    %sub3A = arith.subf %mul3A_6, %mul3A_14 : vector<10x6400xf32>
    %mul3A_15 = arith.constant -4.45445494E-6 : f32
    %mul3A_16 = vector.broadcast %mul3A_15 : f32 to vector<10x6400xf32>
    %mul3A_17 = arith.mulf %floor3A, %mul3A_16 : vector<10x6400xf32>
    %sub3A_18 = arith.subf %sub3A, %mul3A_17 : vector<10x6400xf32>
    %convert_element_type3A = arith.fptosi %floor3A : vector<10x6400xf32> to vector<10x6400xi32>
    %mul3A_19 = arith.mulf %sub3A_18, %sub3A_18 : vector<10x6400xf32>
    %mul3A_20 = arith.constant -1.98412701E-4 : f32
    %mul3A_21 = vector.broadcast %mul3A_20 : f32 to vector<10x6400xf32>
    %mul3A_22 = arith.mulf %mul3A_19, %mul3A_21 : vector<10x6400xf32>
    %add3A_23 = arith.constant 0.00833333377 : f32
    %add3A_24 = vector.broadcast %add3A_23 : f32 to vector<10x6400xf32>
    %add3A_25 = arith.addf %add3A_24, %mul3A_22 : vector<10x6400xf32>
    %mul3A_26 = arith.mulf %mul3A_19, %add3A_25 : vector<10x6400xf32>
    %add3A_27 = arith.constant -0.166666672 : f32
    %add3A_28 = vector.broadcast %add3A_27 : f32 to vector<10x6400xf32>
    %add3A_29 = arith.addf %add3A_28, %mul3A_26 : vector<10x6400xf32>
    %mul3A_30 = arith.mulf %mul3A_19, %add3A_29 : vector<10x6400xf32>
    %add3A_31 = arith.constant 1.000000e+00 : f32
    %add3A_32 = vector.broadcast %add3A_31 : f32 to vector<10x6400xf32>
    %add3A_33 = arith.addf %add3A_32, %mul3A_30 : vector<10x6400xf32>
    %mul3A_34 = arith.mulf %sub3A_18, %add3A_33 : vector<10x6400xf32>
    %div3A = arith.constant 4.032000e+04 : f32
    %div3A_35 = vector.broadcast %div3A : f32 to vector<10x6400xf32>
    %div3A_36 = arith.divf %mul3A_19, %div3A_35 : vector<10x6400xf32>
    %add3A_37 = arith.constant -0.00138888892 : f32
    %add3A_38 = vector.broadcast %add3A_37 : f32 to vector<10x6400xf32>
    %add3A_39 = arith.addf %add3A_38, %div3A_36 : vector<10x6400xf32>
    %mul3A_40 = arith.mulf %mul3A_19, %add3A_39 : vector<10x6400xf32>
    %add3A_41 = arith.constant 0.0416666679 : f32
    %add3A_42 = vector.broadcast %add3A_41 : f32 to vector<10x6400xf32>
    %add3A_43 = arith.addf %add3A_42, %mul3A_40 : vector<10x6400xf32>
    %mul3A_44 = arith.mulf %mul3A_19, %add3A_43 : vector<10x6400xf32>
    %add3A_45 = arith.constant -5.000000e-01 : f32
    %add3A_46 = vector.broadcast %add3A_45 : f32 to vector<10x6400xf32>
    %add3A_47 = arith.addf %add3A_46, %mul3A_44 : vector<10x6400xf32>
    %mul3A_48 = arith.mulf %mul3A_19, %add3A_47 : vector<10x6400xf32>
    %add3A_49 = arith.constant 1.000000e+00 : f32
    %add3A_50 = vector.broadcast %add3A_49 : f32 to vector<10x6400xf32>
    %add3A_51 = arith.addf %add3A_50, %mul3A_48 : vector<10x6400xf32>
    %and3A = arith.constant 1 : i32
    %and3A_52 = vector.broadcast %and3A : i32 to vector<10x6400xi32>
    %and3A_53 = arith.andi %convert_element_type3A, %and3A_52 : vector<10x6400xi32>
    %ne3A = arith.constant 0 : i32
    %ne3A_54 = vector.broadcast %ne3A : i32 to vector<10x6400xi32>
    %ne3A_55 = arith.cmpi ne, %and3A_53, %ne3A_54 : vector<10x6400xi32>
    %select_n3A = arith.select %ne3A_55, %add3A_51, %mul3A_34 : vector<10x6400xi1>, vector<10x6400xf32>
    %select_n3A_56 = arith.select %ne3A_55, %mul3A_34, %add3A_51 : vector<10x6400xi1>, vector<10x6400xf32>
    %and3A_57 = arith.constant 2 : i32
    %and3A_58 = vector.broadcast %and3A_57 : i32 to vector<10x6400xi32>
    %and3A_59 = arith.andi %convert_element_type3A, %and3A_58 : vector<10x6400xi32>
    %ne3A_60 = arith.constant 0 : i32
    %ne3A_61 = vector.broadcast %ne3A_60 : i32 to vector<10x6400xi32>
    %ne3A_62 = arith.cmpi ne, %and3A_59, %ne3A_61 : vector<10x6400xi32>
    %neg3A = arith.constant 0.000000e+00 : f32
    %neg3A_63 = vector.broadcast %neg3A : f32 to vector<10x6400xf32>
    %neg3A_64 = arith.subf %neg3A_63, %select_n3A : vector<10x6400xf32>
    %select_n3A_65 = arith.select %ne3A_62, %neg3A_64, %select_n3A : vector<10x6400xi1>, vector<10x6400xf32>
    %add3A_66 = arith.constant 1 : i32
    %add3A_67 = vector.broadcast %add3A_66 : i32 to vector<10x6400xi32>
    %add3A_68 = arith.addi %convert_element_type3A, %add3A_67 : vector<10x6400xi32>
    %and3A_69 = arith.constant 2 : i32
    %and3A_70 = vector.broadcast %and3A_69 : i32 to vector<10x6400xi32>
    %and3A_71 = arith.andi %add3A_68, %and3A_70 : vector<10x6400xi32>
    %ne3A_72 = arith.constant 0 : i32
    %ne3A_73 = vector.broadcast %ne3A_72 : i32 to vector<10x6400xi32>
    %ne3A_74 = arith.cmpi ne, %and3A_71, %ne3A_73 : vector<10x6400xi32>
    %neg3A_75 = arith.constant 0.000000e+00 : f32
    %neg3A_76 = vector.broadcast %neg3A_75 : f32 to vector<10x6400xf32>
    %neg3A_77 = arith.subf %neg3A_76, %select_n3A_56 : vector<10x6400xf32>
    %select_n3A_78 = arith.select %ne3A_74, %neg3A_77, %select_n3A_56 : vector<10x6400xi1>, vector<10x6400xf32>
    %get3A_79 = arith.constant 0 : index
    %get3A_80 = arith.constant 0 : index
    %get3A_81 = vector.load %arg1[%get3A_79, %get3A_80] : memref<6400x5xf32, #tpu.memory_space<vmem>>, vector<6400x5xf32>
    %get3A_82 = arith.constant 0 : index
    %get3A_83 = arith.constant 0 : index
    %get3A_84 = vector.load %arg4[%get3A_82, %get3A_83] : memref<5x128xf32, #tpu.memory_space<vmem>>, vector<5x128xf32>
    %dot_general3A = arith.constant dense<0.000000e+00> : vector<6400x128xf32>
    %dot_general3A_85 = tpu.matmul %get3A_81, %get3A_84, %dot_general3A {dimension_numbers = #tpu.dot_dimension_numbers<[1], [0], [0], [1], [0, 0, 1, 1], [], []>, transpose_lhs_hint = false} : vector<6400x5xf32>, vector<5x128xf32>, vector<6400x128xf32> -> vector<6400x128xf32>
    %get3A_86 = arith.constant 0 : index
    %get3A_87 = arith.constant 0 : index
    %get3A_88 = vector.load %arg5[%get3A_86, %get3A_87] : memref<10x128xf32, #tpu.memory_space<vmem>>, vector<10x128xf32>
    %dot_general3A_89 = arith.constant dense<0.000000e+00> : vector<6400x128xf32>
    %dot_general3A_90 = tpu.matmul %select_n3A_65, %get3A_88, %dot_general3A_89 {dimension_numbers = #tpu.dot_dimension_numbers<[0], [0], [1], [1], [0, 1, 1, 1], [], []>, transpose_lhs_hint = false} : vector<10x6400xf32>, vector<10x128xf32>, vector<6400x128xf32> -> vector<6400x128xf32>
    %add3A_91 = arith.addf %dot_general3A_85, %dot_general3A_90 : vector<6400x128xf32>
    %get3A_92 = arith.constant 0 : index
    %get3A_93 = arith.constant 0 : index
    %get3A_94 = vector.load %arg6[%get3A_92, %get3A_93] : memref<10x128xf32, #tpu.memory_space<vmem>>, vector<10x128xf32>
    %dot_general3A_95 = arith.constant dense<0.000000e+00> : vector<6400x128xf32>
    %dot_general3A_96 = tpu.matmul %select_n3A_78, %get3A_94, %dot_general3A_95 {dimension_numbers = #tpu.dot_dimension_numbers<[0], [0], [1], [1], [0, 1, 1, 1], [], []>, transpose_lhs_hint = false} : vector<10x6400xf32>, vector<10x128xf32>, vector<6400x128xf32> -> vector<6400x128xf32>
    %add3A_97 = arith.addf %add3A_91, %dot_general3A_96 : vector<6400x128xf32>
    %get3A_98 = arith.constant 0 : index
    %get3A_99 = arith.constant 0 : index
    %get3A_100 = vector.load %arg7[%get3A_98, %get3A_99] : memref<1x128xf32, #tpu.memory_space<vmem>>, vector<1x128xf32>
    %add3A_101 = vector.broadcast %get3A_100 : vector<1x128xf32> to vector<6400x128xf32>
    %add3A_102 = arith.addf %add3A_97, %add3A_101 : vector<6400x128xf32>
    %swap3A = arith.constant 0 : index
    %swap3A_103 = arith.constant 0 : index
    %swap3A_104 = vector.load %arg8[%swap3A, %swap3A_103] : memref<6400x128xf32, #tpu.memory_space<vmem>>, vector<6400x128xf32>
    tpu.vector_store %arg8[%swap3A, %swap3A_103], %add3A_102 {strides = array<i32>} : memref<6400x128xf32, #tpu.memory_space<vmem>>, vector<6400x128xf32>,
    return
  }
  func.func @transform_0(%arg0: i32) -> (i32, i32) {
    %c0_i32 = arith.constant 0 : i32
    %c0_i32_0 = arith.constant 0 : i32
    return %arg0, %c0_i32 : i32, i32
  }
  func.func @transform_1(%arg0: i32) -> (i32, i32) {
    %c0_i32 = arith.constant 0 : i32
    %c0_i32_0 = arith.constant 0 : i32
    return %c0_i32, %arg0 : i32, i32
  }
  func.func @transform_2(%arg0: i32) -> (i32, i32) {
    %c0_i32 = arith.constant 0 : i32
    %c0_i32_0 = arith.constant 0 : i32
    %c0_i32_1 = arith.constant 0 : i32
    return %c0_i32, %c0_i32_0 : i32, i32
  }
  func.func @transform_3(%arg0: i32) -> (i32, i32) {
    %c0_i32 = arith.constant 0 : i32
    %c0_i32_0 = arith.constant 0 : i32
    %c0_i32_1 = arith.constant 0 : i32
    return %c0_i32, %c0_i32_0 : i32, i32
  }
  func.func @transform_4(%arg0: i32) -> (i32, i32) {
    %c0_i32 = arith.constant 0 : i32
    %c0_i32_0 = arith.constant 0 : i32
    %c0_i32_1 = arith.constant 0 : i32
    return %c0_i32, %c0_i32_0 : i32, i32
  }
  func.func @transform_5(%arg0: i32) -> (i32, i32) {
    %c0_i32 = arith.constant 0 : i32
    %c0_i32_0 = arith.constant 0 : i32
    %c0_i32_1 = arith.constant 0 : i32
    return %c0_i32, %c0_i32_0 : i32, i32
  }
  func.func @transform_6(%arg0: i32) -> (i32, i32) {
    %c0_i32 = arith.constant 0 : i32
    %c0_i32_0 = arith.constant 0 : i32
    %c0_i32_1 = arith.constant 0 : i32
    return %c0_i32, %c0_i32_0 : i32, i32
  }
  func.func @transform_7(%arg0: i32) -> (i32, i32) {
    %c0_i32 = arith.constant 0 : i32
    %c0_i32_0 = arith.constant 0 : i32
    return %arg0, %c0_i32 : i32, i32
  }
}

module attributes {stable_mosaic.version = 14 : i64} {
  func.func @_head_body(%arg0: memref<10000x142xf32, #tpu.memory_space<vmem>>, %arg1: memref<2x10000x128xf32, #tpu.memory_space<vmem>>, %arg2: memref<10000x1xi32, #tpu.memory_space<vmem>>, %arg3: memref<142x128xf32, #tpu.memory_space<vmem>>, %arg4: memref<128x128xf32, #tpu.memory_space<vmem>>, %arg5: memref<1x128xf32, #tpu.memory_space<vmem>>, %arg6: memref<128x1xf32, #tpu.memory_space<vmem>>, %arg7: memref<1x1xf32, #tpu.memory_space<vmem>>, %arg8: memref<10000x1xf32, #tpu.memory_space<vmem>>) attributes {dimension_semantics = [], scalar_prefetch = 0 : i64, scratch_operands = 0 : i64, tpu.core_type = #tpu.core_type<tc>} {
    %get3A = arith.constant 0 : index
    %get3A_0 = arith.constant 0 : index
    %get3A_1 = arith.constant 0 : index
    %get3A_2 = vector.load %arg1[%get3A, %get3A_0, %get3A_1] : memref<2x10000x128xf32, #tpu.memory_space<vmem>>, vector<1x10000x128xf32>
    %get3A_3 = vector.shape_cast %get3A_2 : vector<1x10000x128xf32> to vector<10000x128xf32>
    %get3A_4 = arith.constant 1 : index
    %get3A_5 = arith.constant 0 : index
    %get3A_6 = arith.constant 0 : index
    %get3A_7 = vector.load %arg1[%get3A_4, %get3A_5, %get3A_6] : memref<2x10000x128xf32, #tpu.memory_space<vmem>>, vector<1x10000x128xf32>
    %get3A_8 = vector.shape_cast %get3A_7 : vector<1x10000x128xf32> to vector<10000x128xf32>
    %add3A = arith.addf %get3A_3, %get3A_8 : vector<10000x128xf32>
    %get3A_9 = arith.constant 0 : index
    %get3A_10 = arith.constant 0 : index
    %get3A_11 = vector.load %arg0[%get3A_9, %get3A_10] : memref<10000x142xf32, #tpu.memory_space<vmem>>, vector<10000x142xf32>
    %get3A_12 = arith.constant 0 : index
    %get3A_13 = arith.constant 0 : index
    %get3A_14 = vector.load %arg3[%get3A_12, %get3A_13] : memref<142x128xf32, #tpu.memory_space<vmem>>, vector<142x128xf32>
    %dot_general3A = arith.constant dense<0.000000e+00> : vector<10000x128xf32>
    %dot_general3A_15 = tpu.matmul %get3A_11, %get3A_14, %dot_general3A {dimension_numbers = #tpu.dot_dimension_numbers<[1], [0], [0], [1], [0, 0, 1, 1], [], []>, transpose_lhs_hint = false} : vector<10000x142xf32>, vector<142x128xf32>, vector<10000x128xf32> -> vector<10000x128xf32>
    %get3A_16 = arith.constant 0 : index
    %get3A_17 = arith.constant 0 : index
    %get3A_18 = vector.load %arg4[%get3A_16, %get3A_17] : memref<128x128xf32, #tpu.memory_space<vmem>>, vector<128x128xf32>
    %dot_general3A_19 = arith.constant dense<0.000000e+00> : vector<10000x128xf32>
    %dot_general3A_20 = tpu.matmul %add3A, %get3A_18, %dot_general3A_19 {dimension_numbers = #tpu.dot_dimension_numbers<[1], [0], [0], [1], [0, 0, 1, 1], [], []>, transpose_lhs_hint = false} : vector<10000x128xf32>, vector<128x128xf32>, vector<10000x128xf32> -> vector<10000x128xf32>
    %add3A_21 = arith.addf %dot_general3A_15, %dot_general3A_20 : vector<10000x128xf32>
    %get3A_22 = arith.constant 0 : index
    %get3A_23 = arith.constant 0 : index
    %get3A_24 = vector.load %arg5[%get3A_22, %get3A_23] : memref<1x128xf32, #tpu.memory_space<vmem>>, vector<1x128xf32>
    %add3A_25 = vector.broadcast %get3A_24 : vector<1x128xf32> to vector<10000x128xf32>
    %add3A_26 = arith.addf %add3A_21, %add3A_25 : vector<10000x128xf32>
    %max3A = arith.constant 0.000000e+00 : f32
    %max3A_27 = vector.broadcast %max3A : f32 to vector<10000x128xf32>
    %max3A_28 = arith.maximumf %add3A_26, %max3A_27 : vector<10000x128xf32>
    %iota3A = tpu.iota {dimensions = array<i32: 1>} : vector<10000x25xi32>
    %get3A_29 = arith.constant 0 : index
    %get3A_30 = arith.constant 0 : index
    %get3A_31 = vector.load %arg2[%get3A_29, %get3A_30] : memref<10000x1xi32, #tpu.memory_space<vmem>>, vector<10000x1xi32>
    %eq3A = vector.broadcast %get3A_31 : vector<10000x1xi32> to vector<10000x25xi32>
    %eq3A_32 = arith.cmpi eq, %eq3A, %iota3A : vector<10000x25xi32>
    %convert_element_type3A = arith.extui %eq3A_32 : vector<10000x25xi1> to vector<10000x25xi32>
    %convert_element_type3A_33 = arith.sitofp %convert_element_type3A : vector<10000x25xi32> to vector<10000x25xf32>
    %dot_general3A_34 = arith.constant dense<0.000000e+00> : vector<25x128xf32>
    %dot_general3A_35 = tpu.matmul %convert_element_type3A_33, %max3A_28, %dot_general3A_34 {dimension_numbers = #tpu.dot_dimension_numbers<[0], [0], [1], [1], [0, 1, 1, 1], [], []>, transpose_lhs_hint = false} : vector<10000x25xf32>, vector<10000x128xf32>, vector<25x128xf32> -> vector<25x128xf32>
    %broadcast_in_dim3A = arith.constant 1.000000e+00 : f32
    %broadcast_in_dim3A_36 = vector.broadcast %broadcast_in_dim3A : f32 to vector<10000x1xf32>
    %dot_general3A_37 = arith.constant dense<0.000000e+00> : vector<25x1xf32>
    %dot_general3A_38 = tpu.matmul %convert_element_type3A_33, %broadcast_in_dim3A_36, %dot_general3A_37 {dimension_numbers = #tpu.dot_dimension_numbers<[0], [0], [1], [1], [0, 1, 1, 1], [], []>, transpose_lhs_hint = false} : vector<10000x25xf32>, vector<10000x1xf32>, vector<25x1xf32> -> vector<25x1xf32>
    %max3A_39 = arith.constant 1.000000e+00 : f32
    %max3A_40 = vector.broadcast %max3A_39 : f32 to vector<25x1xf32>
    %max3A_41 = arith.maximumf %dot_general3A_38, %max3A_40 : vector<25x1xf32>
    %div3A = vector.broadcast %max3A_41 : vector<25x1xf32> to vector<25x128xf32>
    %div3A_42 = arith.divf %dot_general3A_35, %div3A : vector<25x128xf32>
    %dot_general3A_43 = arith.constant dense<0.000000e+00> : vector<10000x128xf32>
    %dot_general3A_44 = tpu.matmul %convert_element_type3A_33, %div3A_42, %dot_general3A_43 {dimension_numbers = #tpu.dot_dimension_numbers<[1], [0], [0], [1], [0, 0, 1, 1], [], []>, transpose_lhs_hint = false} : vector<10000x25xf32>, vector<25x128xf32>, vector<10000x128xf32> -> vector<10000x128xf32>
    %add3A_45 = arith.addf %max3A_28, %dot_general3A_44 : vector<10000x128xf32>
    %get3A_46 = arith.constant 0 : index
    %get3A_47 = arith.constant 0 : index
    %get3A_48 = vector.load %arg6[%get3A_46, %get3A_47] : memref<128x1xf32, #tpu.memory_space<vmem>>, vector<128x1xf32>
    %dot_general3A_49 = arith.constant dense<0.000000e+00> : vector<10000x1xf32>
    %dot_general3A_50 = tpu.matmul %add3A_45, %get3A_48, %dot_general3A_49 {dimension_numbers = #tpu.dot_dimension_numbers<[1], [0], [0], [1], [0, 0, 1, 1], [], []>, transpose_lhs_hint = false} : vector<10000x128xf32>, vector<128x1xf32>, vector<10000x1xf32> -> vector<10000x1xf32>
    %get3A_51 = arith.constant 0 : index
    %get3A_52 = arith.constant 0 : index
    %get3A_53 = vector.load %arg7[%get3A_51, %get3A_52] : memref<1x1xf32, #tpu.memory_space<vmem>>, vector<1x1xf32>
    %add3A_54 = vector.broadcast %get3A_53 : vector<1x1xf32> to vector<10000x1xf32>
    %add3A_55 = arith.addf %dot_general3A_50, %add3A_54 : vector<10000x1xf32>
    %logistic3A = arith.negf %add3A_55 : vector<10000x1xf32>
    %logistic3A_56 = math.exp %logistic3A : vector<10000x1xf32>
    %logistic3A_57 = arith.constant 1.000000e+00 : f32
    %logistic3A_58 = vector.broadcast %logistic3A_57 : f32 to vector<10000x1xf32>
    %logistic3A_59 = arith.addf %logistic3A_58, %logistic3A_56 : vector<10000x1xf32>
    %logistic3A_60 = arith.divf %logistic3A_58, %logistic3A_59 : vector<10000x1xf32>
    %swap3A = arith.constant 0 : index
    %swap3A_61 = arith.constant 0 : index
    %swap3A_62 = vector.load %arg8[%swap3A, %swap3A_61] : memref<10000x1xf32, #tpu.memory_space<vmem>>, vector<10000x1xf32>
    tpu.vector_store %arg8[%swap3A, %swap3A_61], %logistic3A_60 {strides = array<i32>} : memref<10000x1xf32, #tpu.memory_space<vmem>>, vector<10000x1xf32>,
    return
  }
}

</mosaic_0001>

<sc_bundles>
// kernel: kernel.6.cloned.1.call-start
scs
__scs_entry_jumppad:
0x0: {  	(pc) =	sbr.rel $0x88, $3  }
0x1: {  	(tag) =	ssettag $0x0;
	lr =	simm.s32 $0x1  }
0x2: {  	[smem:$0x3F95] =	sst lr;
	_ =	strace $0xD0000000  }
0x3: {  	_ = 	snop  }
0x4: {  	_ = 	snop  }
0x5: {  	_ = 	snop  }
0x6: {  	_ = 	snop  }
0x7: {  	_ = 	snop  }
__scs_overlays_trampoline_lowered:
0x8: {  	[smem:$0x3FA4] =	sst s0  }
0x9: {  	[smem:$0x3FA5] =	sst s1  }
0xa: {  	[smem:$0x3FA6] =	sst s2  }
0xb: {  	[smem:$0x3FA7] =	sst s3  }
0xc: {  	[smem:$0x3FA8] =	sst s4  }
0xd: {  	[smem:$0x3FA9] =	sst s5  }
0xe: {  	[smem:$0x3FAA] =	sst s6  }
0xf: {  	[smem:$0x3FAB] =	sst s7  }
0x10: {  	[smem:$0x3FAC] =	sst s8  }
0x11: {  	[smem:$0x3FAD] =	sst s9;
	s0 =	simm.s32 @!p0 $0x0  }
0x12: {  	s1 =	sld [smem:$0x3F93];
	s0 =	simm.s32 @p0 $0x1  }
0x13: {  	[smem:$0x3FAE] =	sst s0;
	s0 =	simm.s32 @!p1 $0x0  }
0x14: {  	s2 =	sld [smem:$0x3F92];
	s0 =	simm.s32 @p1 $0x1  }
0x15: {  	[smem:$0x3FAF] =	sst s0;
	s0 =	simm.s32 @!p2 $0x0  }
0x16: {  	s3 =	sld [smem:$0x3FDB];
	s0 =	simm.s32 @p2 $0x1  }
0x17: {  	s4 =	simm.s32 $0x1BF5;
	[smem:$0x3FB1] =	sst s0  }
0x18: {  	s0 =	sld [smem:$0x3F94];
	_ =	swait.ge [sflag:s4], $0x0  }
0x19: {  	s7 =	sld [smem:$0x3F95]  }
0x1a: {  	s8 =	sadd.s32 $0xFFFFE003, lr  }
0x1b: {  	s9 =	sadd.s32 $0xFFFFFEF7, lr;
	s5 =	simm.s32 $0xFFFFFFFF;
	p2 =	slt.u32 s8, $0xFFFFF086  }
0x1c: {  	p1 =	slt.u32 s9, $0xF7A;
	s5 =	simm.s32 @!p2 $0x0  }
0x1d: {  	s5 =	simm.s32 @p1 $0x1;
	p0 =	seq.s32 s7, s2  }
0x1e: {  	s7 =	smul.u32 @!p0 $0xF7A, s2;
	p2 =	seq.s32 @!p0 s5, $0x0  }
0x1f: {  	s9 =	smul.u32 $0xF7A, s1;
	s8 =	simm.s32 @!p0 $0x1BF5;
	p2 =	por !p2, p0  }
0x20: {  	[sflag:s8] =	ssyncset.s32 @!p0 $0xFFFFF086;
	s6 =	sadd.s32 @!p0 s3, s7;
	s7 =	simm.s32 @!p0 $0x108  }
0x21: {  	s3 =	sadd.s32 s3, s9;
	s6 =	sadd.s32 @!p0 $0x88, s6;
	s7 =	simm.s32 @p2 $0x1082  }
0x22: {  	[simem:s7], [sflag:s8] =	dma.local @!p0 [hbm:s6], $0xF7A  }
0x23: {  	s9 =	sor.u32 $0xD0000000, s2;
	s6 =	simm.s32 $0x108;
	_ =	swait.ge @!p0 [sflag:s8], $0x0  }
0x24: {  	s3 =	sadd.s32 $0x88, s3;
	s6 =	simm.s32 @!p1 $0x1082;
	[sflag:s4] =	ssyncset.s32 $0xFFFFF086  }
0x25: {  	[simem:s6], [sflag:s4] =	dma.local [hbm:s3], $0xF7A  }
0x26: {  	[smem:$0x3F95] =	sst s1;
	(tag) =	ssettag s2;
	_ =	strace s9  }
0x27: {  	s1 =	sld [smem:$0x3FA5]  }
0x28: {  	s2 =	sld [smem:$0x3FA6]  }
0x29: {  	s4 =	sld [smem:$0x3FA8]  }
0x2a: {  	p0 =	seq.s32 s5, $0x0;
	s5 =	sld [smem:$0x3FA9]  }
0x2b: {  	s6 =	sld [smem:$0x3FAA]  }
0x2c: {  	s7 =	sld [smem:$0x3FAB]  }
0x2d: {  	s3 =	simm.s32 $0x108;
	s8 =	sld [smem:$0x3FAC]  }
0x2e: {  	s3 =	simm.s32 @!p0 $0x1082;
	s9 =	sld [smem:$0x3FAD]  }
0x2f: {  	lr =	sadd.s32 s0, s3;
	s0 =	sld [smem:$0x3FA4]  }
0x30: {  	s3 =	sld [smem:$0x3FA7]  }
0x31: {  	[smem:$0x3FB0] =	sst s10  }
0x32: {  	s10 =	sld [smem:$0x3FAE];
	_ =	sdelay $0x3  }
0x33: {  	p0 =	seq.s32 s10, $0x1;
	s10 =	sld [smem:$0x3FB0];
	_ =	sdelay $0x3  }
0x34: {  	[smem:$0x3FB0] =	sst s10  }
0x35: {  	s10 =	sld [smem:$0x3FAF];
	_ =	sdelay $0x3  }
0x36: {  	p1 =	seq.s32 s10, $0x1;
	s10 =	sld [smem:$0x3FB0];
	_ =	sdelay $0x3  }
0x37: {  	[smem:$0x3FB0] =	sst s10  }
0x38: {  	s10 =	sld [smem:$0x3FB1]  }
0x39: {  	_ = 	snop;
	(pc) =	sbr.ind lr, $3  }
0x3a: {  	_ = 	snop  }
0x3b: {  	_ = 	snop  }
0x3c: {  	p2 =	seq.s32 s10, $0x1;
	s10 =	sld [smem:$0x3FB0]  }
0x3d: {  	_ =	shalt  }
0x3e: {  	_ =	shalt  }
0x3f: {  	_ =	shalt  }
0x40: {  	_ =	shalt  }
0x41: {  	_ =	shalt  }
0x42: {  	_ =	shalt  }
0x43: {  	_ =	shalt  }
0x44: {  	_ =	shalt  }
0x45: {  	_ =	shalt  }
0x46: {  	_ =	shalt  }
0x47: {  	_ =	shalt  }
0x48: {  	_ =	shalt  }
0x49: {  	_ =	shalt  }
0x4a: {  	_ =	shalt  }
0x4b: {  	_ =	shalt  }
0x4c: {  	_ =	shalt  }
0x4d: {  	_ =	shalt  }
0x4e: {  	_ =	shalt  }
0x4f: {  	_ =	shalt  }
0x50: {  	_ =	shalt  }
0x51: {  	_ =	shalt  }
0x52: {  	_ =	shalt  }
0x53: {  	_ =	shalt  }
0x54: {  	_ =	shalt  }
0x55: {  	_ =	shalt  }
0x56: {  	_ =	shalt  }
0x57: {  	_ =	shalt  }
0x58: {  	_ =	shalt  }
0x59: {  	_ =	shalt  }
0x5a: {  	_ =	shalt  }
0x5b: {  	_ =	shalt  }
0x5c: {  	_ =	shalt  }
0x5d: {  	_ =	shalt  }
0x5e: {  	_ =	shalt  }
0x5f: {  	_ =	shalt  }
0x60: {  	_ =	shalt  }
0x61: {  	_ =	shalt  }
0x62: {  	_ =	shalt  }
0x63: {  	_ =	shalt  }
0x64: {  	_ =	shalt  }
0x65: {  	_ =	shalt  }
0x66: {  	_ =	shalt  }
0x67: {  	_ =	shalt  }
0x68: {  	_ =	shalt  }
0x69: {  	_ =	shalt  }
0x6a: {  	_ =	shalt  }
0x6b: {  	_ =	shalt  }
0x6c: {  	_ =	shalt  }
0x6d: {  	_ =	shalt  }
0x6e: {  	_ =	shalt  }
0x6f: {  	_ =	shalt  }
0x70: {  	_ =	shalt  }
0x71: {  	_ =	shalt  }
0x72: {  	_ =	shalt  }
0x73: {  	_ =	shalt  }
0x74: {  	_ =	shalt  }
0x75: {  	_ =	shalt  }
0x76: {  	_ =	shalt  }
0x77: {  	_ =	shalt  }
0x78: {  	_ =	shalt  }
0x79: {  	_ =	shalt  }
0x7a: {  	_ =	shalt  }
0x7b: {  	_ =	shalt  }
0x7c: {  	_ =	shalt  }
0x7d: {  	_ =	shalt  }
0x7e: {  	_ =	shalt  }
0x7f: {  	_ =	shalt  }
0x80: {  	_ =	shalt  }
0x81: {  	_ =	shalt  }
0x82: {  	_ =	shalt  }
0x83: {  	_ =	shalt  }
0x84: {  	_ =	shalt  }
0x85: {  	_ =	shalt  }
0x86: {  	_ =	shalt  }
0x87: {  	_ =	shalt  }
.Lfunc_end0:
.L_simem_size_0:
called_computation_lowered:
.L_overlay_start_0:
0x88: {  	s2 =	sld [smem:$0x3FD9]  }
0x89: {  	s3 =	sld [smem:$0x3FFE];
	_ =	sdelay $0x1  }
0x8a: {  	s1 =	srdreg.scid  }
0x8b: {  	s0 =	sand.u32 $0x1, s1  }
0x8c: {  	s16 =	sshll.u32 s0, $0xA;
	s2 =	sadd.s32 s3, s2  }
0x8d: {  	s2 =	sadd.s32 s2, s16  }
0x8e: {  	[smem:$0x3FBC] =	sst s2  }
0x8f: {  	_ = 	snop  }
0x90: {  	(tm) =	ssettm $0x1  }
0x91: {  	s17 =	sld [smem:$0x3FFB];
	_ =	sdelay $0x3  }
0x92: {  	_ =	strace s17  }
0x93: {  	s2 =	sld [smem:$0x3FFC];
	_ =	sdelay $0x3  }
0x94: {  	_ =	strace s2  }
0x95: {  	s2 =	sld [smem:$0x3FFD];
	_ =	sdelay $0x3  }
0x96: {  	_ =	strace s2  }
0x97: {  	_ =	strace $0x8FFFFFFF  }
0x98: {  	s18 =	sld [smem:$0x3FDB];
	_ =	sdelay $0x1  }
0x99: {  	s19 =	simm.s32 $_scs_section_size  }
0x9a: {  	s4 =	simm.s32 $_size__tile_overlayer_lowered;
	s5 =	simm.s32 $_tile_overlayer_lowered  }
0x9b: {  	s22 =	simm.s32 $0x1BFF;
	s21 =	sshll.u32 s5, $0x1;
	s2 =	sadd.s32 s19, s18  }
0x9c: {  	s6 =	simm.s32 $0x0;
	s20 =	sshll.u32 s4, $0x1;
	s4 =	sadd.s32 s21, s2  }
0x9d: {  	[timem:s6], [sflag:s22] =	dma.local [hbm:s4], s20  }
0x9e: {  	_ =	swait.ge [sflag:s22], s20  }
0x9f: {  	s3 =	ssub.s32 $0x0, s20;
	[sflag:s22] =	ssyncset.done $0x0  }
0xa0: {  	[sflag:s22] =	ssyncadd.s32 s3;
	_ =	sdelay $0x1  }
0xa1: {  	s23 =	simm.s32 $0x1B8B  }
0xa2: {  	_ =	swait.ge [sflag:s23], $0x1  }
0xa3: {  	[sflag:s23] =	ssyncset.done $0x0  }
0xa4: {  	s25 =	simm.s32 $0x1B8E;
	s24 =	sld [smem:$0x3FFE];
	[sflag:s23] =	ssyncadd.s32 $0xFFFFFFFF  }
0xa5: {  	s26 =	simm.s32 $execute0_lowered;
	[smem:$0x3FD2] =	sst s25  }
0xa6: {  	s4 =	sshll.u32 s26, $0x1;
	_ =	strace $0x80000046;
	[dreg:$0x1] =	wrdreg $0xFFFFFFFF  }
0xa7: {  	s28 =	simm.s32 $_size_execute0_lowered;
	s2 =	sadd.s32 s2, s4;
	[dreg:$0x0] =	wrdreg $0x0  }
0xa8: {  	s4 =	sshll.u32 s28, $0x1;
	[dreg:$0x2] =	wrdreg s2  }
0xa9: {  	[dreg:$0x3] =	wrdreg s4  }
0xaa: {  	[dreg:$0x4] =	wrdreg $0xC0  }
0xab: {  	_ =	task [dreg:s6], $0x5FFFF  }
0xac: {  	[dreg:$0x1] =	wrdreg $0xFFFFFFFF  }
0xad: {  	[dreg:$0x0] =	wrdreg $0x60  }
0xae: {  	[dreg:$0x2] =	wrdreg s24  }
0xaf: {  	[dreg:$0x3] =	wrdreg $0x88000  }
0xb0: {  	[dreg:$0x4] =	wrdreg $0x9  }
0xb1: {  	_ =	task.clear_ibuf [dreg:s6], $0x5FFFF;
	_ =	strace $0x90000046  }
0xb2: {  	s29 =	simm.s32 $0x9;
	_ =	strace $0x80000048  }
0xb3: {  	_ =	swait.ge [sflag:s29], $0x1  }
0xb4: {  	[sflag:s29] =	ssyncadd.s32 $0xFFFFFFFF  }
0xb5: {  	_ =	strace $0x90000048  }
0xb6: {  	_ =	sfence  }
0xb7: {  	s30 =	sld [smem:$0x0];
	_ =	sdelay $0x2  }
0xb8: {  	s31 =	sshll.u32 s1, $0xD;
	s1 =	sshrl.u32 s1, $0x2  }
0xb9: {  	s3 =	sand.u32 $0x4000, s31;
	s1 =	sadd.s32 s1, s30  }
0xba: {  	s0 =	sor.u32 s3, s0;
	s1 =	sshll.u32 s1, $0x11  }
0xbb: {  	s0 =	sor.u32 s1, s0  }
0xbc: {  	s0 =	sadd.s32 $0x8F2B, s0  }
0xbd: {  	[sflag:s0] =	ssyncadd.remote.s32 $0x1  }
0xbe: {  	_ =	sfence.sel $0xFFFF  }
0xbf: {  	[dreg:$0x0] =	wrdreg $0xFFFFFFFF;
	(pc) =	sbr.abs _section_cstart, $3  }
0xc0: {  	[dreg:$0x1] =	wrdreg $0xFFFFFFFF  }
0xc1: {  	_ =	task.clear_ibuf [dreg:s6], $0x2FFFF;
	_ =	strace $0x9FFFFFFF  }
0xc2: {  	(tm) =	ssettm $0x7FFFFFFF  }
0xc3: {  	_ =	shalt  }
tec
execute0_lowered:
.L_overlay_start_1:
0x0: {  	(tag) =	ssettag $0x1  }
0x1: {  	s0 =	rddreg [dreg:$0x0]  }
0x2: {  	s1 =	rddreg [dreg:$0x1]  }
0x3: {  	s3 =	simm.s32 $0x0;
	s2 =	srdreg.scid;
	s12 =	stileid.u32  }
0x4: {  	[smem:$0x7FF] =	sst s3;
	s2 =	sand.u32 $0x1, s2;
	s11 =	smul.u32 $0x4E000, s12  }
0x5: {  	s16 =	sadd.s32 $0x138000, s1;
	_ =	strace $0x80000047;
	s24 =	sshll.u32 s2, $0x4  }
0x6: {  	s9 =	smul.u32 $0x27100, s2;
	s2 =	ssub.s32 $0x2, s2;
	s26 =	sshrl.u32 s11, $0x2  }
0x7: {  	[dreg:$0x7] =	wrdreg s16;
	s10 =	sshrl.u32 s2, $0x1;
	s14 =	sadd.s32 s26, s1  }
0x8: {  	s2 =	ssub.s32 s2, s10;
	s31 =	sadd.s32 $0x12C00, s14;
	[dreg:$0x5] =	wrdreg s14  }
0x9: {  	s28 =	simm.s32 $0x3480;
	s2 =	smax.u32 s2, $0x1;
	[dreg:$0x6] =	wrdreg s31  }
0xa: {  	s30 =	simm.s32 $0x0;
	s11 =	sadd.s32 $0x1400, s14;
	[dreg:$0x9] =	wrdreg s2  }
0xb: {  	s4 =	sadd.s32 $0x577200, s0;
	s13 =	sadd.s32 $0x2800, s14;
	[dreg:$0xa] =	wrdreg s11  }
0xc: {  	s5 =	sadd.s32 $0x59E400, s0;
	s17 =	sadd.s32 $0x3C00, s14;
	[dreg:$0xb] =	wrdreg s13  }
0xd: {  	s7 =	sadd.s32 $0x531200, s0;
	s18 =	sadd.s32 $0x5000, s14;
	[dreg:$0xc] =	wrdreg s17  }
0xe: {  	s8 =	sadd.s32 $0x554200, s0;
	s19 =	sadd.s32 $0x6400, s14;
	[dreg:$0xd] =	wrdreg s18  }
0xf: {  	p0 =	sne.s32 s12, $0xF;
	s20 =	sadd.s32 $0x7800, s14;
	[dreg:$0xe] =	wrdreg s19  }
0x10: {  	s0 =	sadd.s32 s9, s0;
	s21 =	sadd.s32 $0x8C00, s14;
	[dreg:$0xf] =	wrdreg s20  }
0x11: {  	s3 =	sor.u32 s12, s24;
	s0 =	sadd.s32 $0x1000, s0;
	[dreg:$0x10] =	wrdreg s21  }
0x12: {  	s6 =	smul.u32 $0x8C00, s3;
	s22 =	sadd.s32 $0xA000, s14;
	[dreg:$0x8] =	wrdreg s0  }
0x13: {  	s9 =	smul.u32 $0x2710, s3;
	s23 =	sadd.s32 $0xB400, s14;
	[dreg:$0x12] =	wrdreg s22  }
0x14: {  	s10 =	smul.u32 $0x2700, s12;
	s24 =	sadd.s32 $0xC800, s14;
	[dreg:$0x13] =	wrdreg s23  }
0x15: {  	s26 =	sadd.s32 $0xF000, s14;
	s25 =	sshrl.u32 s6, $0x3;
	[dreg:$0x14] =	wrdreg s24  }
0x16: {  	s15 =	sadd.s32 $0x7A8, s9;
	s0 =	sadd.s32 s10, s0;
	[dreg:$0x16] =	wrdreg s26  }
0x17: {  	s31 =	sadd.s32 $0x11800, s14;
	s2 =	simm.s32 $0x3800;
	s10 =	simm.s32 $0x6  }
0x18: {  	s13 =	simm.s32 $0x28;
	s17 =	simm.s32 $0x6000;
	s18 =	simm.s32 $0x4C00  }
0x19: {  	s19 =	simm.s32 $0x7400;
	s20 =	simm.s32 $0x1;
	[dreg:$0x11] =	wrdreg s0  }
0x1a: {  	s21 =	simm.s32 $0x3;
	s29 =	sadd.s32 s7, s25;
	[dreg:$0x18] =	wrdreg s31  }
0x1b: {  	s22 =	simm.s32 $0x7;
	s3 =	sadd.s32 s8, s25;
	[dreg:$0x3] =	wrdreg s29  }
0x1c: {  	s23 =	simm.s32 $0x2;
	s25 =	sadd.s32 $0xDC00, s14;
	[dreg:$0x4] =	wrdreg s3  }
0x1d: {  	s24 =	simm.s32 $0x4;
	[dreg:$0x15] =	wrdreg s25;
	s29 =	sadd.s32 $0x10400, s14  }
0x1e: {  	v0 =	vimm.f32 $0.0e+00;
	s26 =	simm.s32 $0x3400;
	s11 =	simm.s32 $0x0;
	[dreg:$0x17] =	wrdreg s29  }
.LBB2_1:
0x1f: {  	s0 =	simm.s32 $0x0;
	s3 =	rddreg [dreg:$0x3]  }
0x20: {  	[tilespmem:s0], [sflag:$0x5] =	stream.linear.gather [hbm4b:s3+s0], $0x1900, $0x38;
	[tilespmem:$0x1C080] =	vst v63  }
0x21: {  	s29 =	rddreg [dreg:$0x4];
	s31 =	simm.s32 $0x1C00  }
0x22: {  	[tilespmem:s31], [sflag:$0x5] =	stream.linear.gather [hbm4b:s29+s0], $0x1900, $0x38;
	[tilespmem:$0x1C080] =	vst v63  }
0x23: {  	[dreg:$0x19] =	wrdreg s11;
	s3 =	simm.s32 $0x200;
	s0 =	simm.s32 $0x0  }
.LBB2_2:
0x24: {  	p1 =	sne.s32 s3, $0x4E00;
	[tilespmem:s0+$0x3870] =	vst v0  }
0x25: {  	[tilespmem:s0+$0x3800] =	vst v0  }
0x26: {  	[tilespmem:s0+$0x3810] =	vst v0  }
.Ltmp0:
0x27: {  	[tilespmem:s0+$0x3820] =	vst v0;
	(pc) =	sbr.rel @p1 .LBB2_2-.Ltmp0, $4  }
0x28: {  	[tilespmem:s0+$0x3830] =	vst v0  }
0x29: {  	[tilespmem:s0+$0x3840] =	vst v0  }
0x2a: {  	[tilespmem:s0+$0x3850] =	vst v0  }
0x2b: {  	[tilespmem:s0+$0x3860] =	vst v0;
	s0 =	sshra.s32 s3, $0x2;
	s3 =	sadd.s32 $0x200, s3  }
0x2c: {  	[tilespmem:s0+$0x3870] =	vst v0  }
0x2d: {  	[tilespmem:s0+$0x3800] =	vst v0  }
0x2e: {  	[tilespmem:s0+$0x3810] =	vst v0  }
0x2f: {  	[tilespmem:s0+$0x3820] =	vst v0  }
0x30: {  	[tilespmem:s0+$0x3830] =	vst v0  }
0x31: {  	[tilespmem:s0+$0x3840] =	vst v0  }
0x32: {  	[tilespmem:s0+$0x3850] =	vst v0  }
0x33: {  	[tilespmem:s0+$0x3860] =	vst v0  }
0x34: {  	[spmem:s14] =	stream.linear.scatter [tilespmem:s2], [sflag:$0x6], $0x1400, $0x38;
	[tilespmem:$0x1C080] =	vst v63  }
0x35: {  	_ =	swait.ge [sflag:s10], $0x1400  }
0x36: {  	[sflag:s10] =	ssyncset.done $0x0  }
0x37: {  	s12 =	rddreg [dreg:$0xa];
	[sflag:s10] =	ssyncadd.s32 $0xFFFFEC00  }
0x38: {  	[spmem:s12] =	stream.linear.scatter [tilespmem:s2], [sflag:$0x6], $0x1400, $0x38;
	[tilespmem:$0x1C080] =	vst v63  }
0x39: {  	_ =	swait.ge [sflag:s10], $0x1400  }
0x3a: {  	[sflag:s10] =	ssyncset.done $0x0  }
0x3b: {  	s14 =	rddreg [dreg:$0xb];
	[sflag:s10] =	ssyncadd.s32 $0xFFFFEC00  }
0x3c: {  	[spmem:s14] =	stream.linear.scatter [tilespmem:s2], [sflag:$0x6], $0x1400, $0x38;
	[tilespmem:$0x1C080] =	vst v63  }
0x3d: {  	_ =	swait.ge [sflag:s10], $0x1400  }
0x3e: {  	[sflag:s10] =	ssyncset.done $0x0  }
0x3f: {  	s25 =	rddreg [dreg:$0xc];
	[sflag:s10] =	ssyncadd.s32 $0xFFFFEC00  }
0x40: {  	[spmem:s25] =	stream.linear.scatter [tilespmem:s2], [sflag:$0x6], $0x1400, $0x38;
	[tilespmem:$0x1C080] =	vst v63  }
0x41: {  	_ =	swait.ge [sflag:s10], $0x1400  }
0x42: {  	[sflag:s10] =	ssyncset.done $0x0  }
0x43: {  	s29 =	rddreg [dreg:$0xd];
	[sflag:s10] =	ssyncadd.s32 $0xFFFFEC00  }
0x44: {  	[spmem:s29] =	stream.linear.scatter [tilespmem:s2], [sflag:$0x6], $0x1400, $0x38;
	[tilespmem:$0x1C080] =	vst v63  }
0x45: {  	_ =	swait.ge [sflag:s10], $0x1400  }
0x46: {  	[sflag:s10] =	ssyncset.done $0x0  }
0x47: {  	s3 =	rddreg [dreg:$0xe];
	[sflag:s10] =	ssyncadd.s32 $0xFFFFEC00  }
0x48: {  	[spmem:s3] =	stream.linear.scatter [tilespmem:s2], [sflag:$0x6], $0x1400, $0x38;
	[tilespmem:$0x1C080] =	vst v63  }
0x49: {  	_ =	swait.ge [sflag:s10], $0x1400  }
0x4a: {  	[sflag:s10] =	ssyncset.done $0x0  }
0x4b: {  	s11 =	rddreg [dreg:$0xf];
	[sflag:s10] =	ssyncadd.s32 $0xFFFFEC00  }
0x4c: {  	[spmem:s11] =	stream.linear.scatter [tilespmem:s2], [sflag:$0x6], $0x1400, $0x38;
	[tilespmem:$0x1C080] =	vst v63  }
0x4d: {  	_ =	swait.ge [sflag:s10], $0x1400  }
0x4e: {  	[sflag:s10] =	ssyncset.done $0x0  }
0x4f: {  	s12 =	rddreg [dreg:$0x10];
	[sflag:s10] =	ssyncadd.s32 $0xFFFFEC00  }
0x50: {  	[spmem:s12] =	stream.linear.scatter [tilespmem:s2], [sflag:$0x6], $0x1400, $0x38;
	[tilespmem:$0x1C080] =	vst v63  }
0x51: {  	_ =	swait.ge [sflag:s10], $0x1400  }
0x52: {  	[sflag:s10] =	ssyncset.done $0x0  }
0x53: {  	s14 =	rddreg [dreg:$0x12];
	[sflag:s10] =	ssyncadd.s32 $0xFFFFEC00  }
0x54: {  	[spmem:s14] =	stream.linear.scatter [tilespmem:s2], [sflag:$0x6], $0x1400, $0x38;
	[tilespmem:$0x1C080] =	vst v63  }
0x55: {  	_ =	swait.ge [sflag:s10], $0x1400  }
0x56: {  	[sflag:s10] =	ssyncset.done $0x0  }
0x57: {  	s25 =	rddreg [dreg:$0x13];
	[sflag:s10] =	ssyncadd.s32 $0xFFFFEC00  }
0x58: {  	[spmem:s25] =	stream.linear.scatter [tilespmem:s2], [sflag:$0x6], $0x1400, $0x38;
	[tilespmem:$0x1C080] =	vst v63  }
0x59: {  	_ =	swait.ge [sflag:s10], $0x1400  }
0x5a: {  	[sflag:s10] =	ssyncset.done $0x0  }
0x5b: {  	s29 =	rddreg [dreg:$0x14];
	[sflag:s10] =	ssyncadd.s32 $0xFFFFEC00  }
0x5c: {  	[spmem:s29] =	stream.linear.scatter [tilespmem:s2], [sflag:$0x6], $0x1400, $0x38;
	[tilespmem:$0x1C080] =	vst v63  }
0x5d: {  	_ =	swait.ge [sflag:s10], $0x1400  }
0x5e: {  	[sflag:s10] =	ssyncset.done $0x0  }
0x5f: {  	s3 =	rddreg [dreg:$0x15];
	[sflag:s10] =	ssyncadd.s32 $0xFFFFEC00  }
0x60: {  	[spmem:s3] =	stream.linear.scatter [tilespmem:s2], [sflag:$0x6], $0x1400, $0x38;
	[tilespmem:$0x1C080] =	vst v63  }
0x61: {  	_ =	swait.ge [sflag:s10], $0x1400  }
0x62: {  	[sflag:s10] =	ssyncset.done $0x0  }
0x63: {  	s11 =	rddreg [dreg:$0x16];
	[sflag:s10] =	ssyncadd.s32 $0xFFFFEC00  }
0x64: {  	[spmem:s11] =	stream.linear.scatter [tilespmem:s2], [sflag:$0x6], $0x1400, $0x38;
	[tilespmem:$0x1C080] =	vst v63  }
0x65: {  	_ =	swait.ge [sflag:s10], $0x1400  }
0x66: {  	[sflag:s10] =	ssyncset.done $0x0  }
0x67: {  	s12 =	rddreg [dreg:$0x17];
	[sflag:s10] =	ssyncadd.s32 $0xFFFFEC00  }
0x68: {  	[spmem:s12] =	stream.linear.scatter [tilespmem:s2], [sflag:$0x6], $0x1400, $0x38;
	[tilespmem:$0x1C080] =	vst v63  }
0x69: {  	_ =	swait.ge [sflag:s10], $0x1400  }
0x6a: {  	[sflag:s10] =	ssyncset.done $0x0  }
0x6b: {  	s14 =	rddreg [dreg:$0x18];
	[sflag:s10] =	ssyncadd.s32 $0xFFFFEC00  }
0x6c: {  	[spmem:s14] =	stream.linear.scatter [tilespmem:s2], [sflag:$0x6], $0x1400, $0x38;
	[tilespmem:$0x1C080] =	vst v63  }
0x6d: {  	_ =	swait.ge [sflag:s10], $0x1400  }
0x6e: {  	[sflag:s10] =	ssyncset.done $0x0  }
0x6f: {  	s25 =	rddreg [dreg:$0x6];
	[sflag:s10] =	ssyncadd.s32 $0xFFFFEC00  }
0x70: {  	[spmem:s25] =	stream.linear.scatter [tilespmem:s2], [sflag:$0x6], $0xC00, $0x38;
	[tilespmem:$0x1C080] =	vst v63  }
0x71: {  	_ =	swait.ge [sflag:s10], $0xC00  }
0x72: {  	[sflag:s10] =	ssyncset.done $0x0  }
0x73: {  	s0 =	simm.s32 @!p0 $0x3800;
	[sflag:s10] =	ssyncadd.s32 $0xFFFFF400  }
0x74: {  	[spmem:s16] =	stream.linear.scatter @!p0 [tilespmem:s0], [sflag:$0x6], $0x800, $0x38;
	[tilespmem:$0x1C080] =	vst v63  }
0x75: {  	s0 =	simm.s32 @!p0 $0x6  }
0x76: {  	_ =	swait.ge @!p0 [sflag:s0], $0x800  }
0x77: {  	[sflag:s0] =	ssyncset.done @!p0 $0x0  }
0x78: {  	s29 =	simm.s32 $0x5;
	[sflag:s0] =	ssyncadd.s32 @!p0 $0xFFFFF800  }
0x79: {  	_ =	swait.ge [sflag:s29], $0x1900  }
0x7a: {  	[sflag:s29] =	ssyncset.done $0x0  }
0x7b: {  	[sflag:s29] =	ssyncadd.s32 $0xFFFFE700  }
0x7c: {  	_ =	swait.ge [sflag:s29], $0x1900  }
0x7d: {  	[sflag:s29] =	ssyncset.done $0x0  }
0x7e: {  	[sflag:s29] =	ssyncadd.s32 $0xFFFFE700  }
0x7f: {  	s31 =	simm.s32 $0x0;
	[bflag:$0x0] =	sbarrier.arrive $0xFFFF  }
.LBB2_4:
0x80: {  	s0 =	smul.u32 $0x7D0, s31  }
0x81: {  	[tilespmem:s2], [sflag:$0x1] =	stream.indirect.gather [hbm4b:s4+s13], $0x80, s30, s13, $0xb8;
	[tilespmem:$0x1C080] =	vst v63  }
0x82: {  	s3 =	sadd.s32 s9, s0  }
0x83: {  	s3 =	sshll.u32 s3, $0x4  }
0x84: {  	s3 =	sadd.s32 s5, s3  }
0x85: {  	[tilespmem:s17], [sflag:$0x3] =	stream.linear.gather [hbm4b:s3+s30], $0x1400, $0x38;
	[tilespmem:$0x1C080] =	vst v63  }
0x86: {  	s16 =	simm.s32 $0x0;
	s3 =	smul.u32 $0x32, s31  }
.LBB2_5:
0x87: {  	s11 =	sshllo.u32 s16, $0x1  }
0x88: {  	s12 =	sadd.s32 s3, s11  }
0x89: {  	s14 =	sshll.u32 s11, $0x7;
	s12 =	smul.u32 $0x28, s12  }
0x8a: {  	[tilespmem:s18], [sflag:$0x2] =	stream.indirect.gather [hbm4b:s4+s13], $0x80, s14, s13, $0xb8;
	[tilespmem:$0x1C080] =	vst v63  }
0x8b: {  	s11 =	sadd.s32 s9, s12  }
0x8c: {  	s11 =	sshll.u32 s11, $0x4  }
0x8d: {  	s25 =	simm.s32 $0x0;
	s11 =	sadd.s32 s5, s11  }
0x8e: {  	[tilespmem:s19], [sflag:$0x4] =	stream.linear.gather [hbm4b:s11+s25], $0x1400, $0x38;
	[tilespmem:$0x1C080] =	vst v63  }
0x8f: {  	_ =	swait.ge [sflag:s20], $0x1400  }
0x90: {  	[sflag:s20] =	ssyncset.done $0x0  }
0x91: {  	[sflag:s20] =	ssyncadd.s32 $0xFFFFEC00  }
0x92: {  	_ =	swait.ge [sflag:s21], $0x1400  }
0x93: {  	[sflag:s21] =	ssyncset.done $0x0  }
0x94: {  	s12 =	simm.s32 $0x0;
	[sflag:s21] =	ssyncadd.s32 $0xFFFFEC00  }
0x95: {  	v7 =	vld [tilespmem:s12+$0x6000]  }
0x96: {  	v12 =	vld [tilespmem:s12+$0x6010]  }
0x97: {  	v6 =	vld [tilespmem:s12+$0x6020]  }
0x98: {  	v5 =	vld [tilespmem:s12+$0x6030]  }
0x99: {  	v4 =	vld [tilespmem:s12+$0x6040]  }
0x9a: {  	v3 =	vld [tilespmem:s12+$0x6050]  }
0x9b: {  	v2 =	vld [tilespmem:s12+$0x6060]  }
0x9c: {  	v1 =	vld [tilespmem:s12+$0x6070]  }
0x9d: {  	v13 =	vld [tilespmem:s12+$0x3800]  }
0x9e: {  	v14 =	vld [tilespmem:s12+$0x3810]  }
0x9f: {  	v11 =	vld [tilespmem:s12+$0x3820]  }
0xa0: {  	v10 =	vld [tilespmem:s12+$0x3830]  }
0xa1: {  	v9 =	vld [tilespmem:s12+$0x3840]  }
0xa2: {  	v8 =	vld [tilespmem:s12+$0x3850];
	v13 =	vadd.f32 v7, v13  }
0xa3: {  	s29 =	simm.s32 $0x200;
	s11 =	sshll.u32 s16, $0x1;
	v12 =	vadd.f32 v12, v14;
	v7 =	vld [tilespmem:s12+$0x3860]  }
.LBB2_6:
0xa4: {  	s25 =	sshra.s32 s29, $0x2;
	p1 =	sne.s32 s29, $0x4E00;
	v13 =	vmax.f32 v13, $0.0e+00;
	v6 =	vadd.f32 v6, v11;
	v11 =	vld [tilespmem:s12+$0x3870]  }
0xa5: {  	v14 =	vld [tilespmem:s25+$0x6000];
	[tilespmem:s12+$0x3800] =	vst v13;
	v12 =	vmax.f32 v12, $0.0e+00;
	v5 =	vadd.f32 v5, v10  }
0xa6: {  	v15 =	vld [tilespmem:s25+$0x6010];
	[tilespmem:s12+$0x3810] =	vst v12;
	v10 =	vmax.f32 v6, $0.0e+00;
	v4 =	vadd.f32 v4, v9  }
0xa7: {  	v6 =	vld [tilespmem:s25+$0x6020];
	[tilespmem:s12+$0x3820] =	vst v10;
	v9 =	vmax.f32 v5, $0.0e+00;
	v3 =	vadd.f32 v3, v8  }
0xa8: {  	v5 =	vld [tilespmem:s25+$0x6030];
	[tilespmem:s12+$0x3830] =	vst v9;
	v8 =	vmax.f32 v4, $0.0e+00;
	v2 =	vadd.f32 v2, v7  }
0xa9: {  	v4 =	vld [tilespmem:s25+$0x6040];
	[tilespmem:s12+$0x3840] =	vst v8;
	v7 =	vmax.f32 v3, $0.0e+00;
	v1 =	vadd.f32 v1, v11  }
0xaa: {  	v3 =	vld [tilespmem:s25+$0x6050];
	[tilespmem:s12+$0x3850] =	vst v7;
	v7 =	vmax.f32 v2, $0.0e+00  }
0xab: {  	v2 =	vld [tilespmem:s25+$0x6060];
	[tilespmem:s12+$0x3860] =	vst v7;
	v7 =	vmax.f32 v1, $0.0e+00  }
0xac: {  	v1 =	vld [tilespmem:s25+$0x6070];
	[tilespmem:s12+$0x3870] =	vst v7;
	s12 =	smov.u32 s25  }
0xad: {  	v7 =	vld [tilespmem:s12+$0x3800]  }
0xae: {  	v12 =	vld [tilespmem:s12+$0x3810]  }
.Ltmp1:
0xaf: {  	v11 =	vld [tilespmem:s12+$0x3820];
	(pc) =	sbr.rel @p1 .LBB2_6-.Ltmp1, $4  }
0xb0: {  	v10 =	vld [tilespmem:s12+$0x3830]  }
0xb1: {  	v9 =	vld [tilespmem:s12+$0x3840]  }
0xb2: {  	v13 =	vadd.f32 v14, v7;
	v8 =	vld [tilespmem:s12+$0x3850]  }
0xb3: {  	s29 =	sadd.s32 $0x200, s29;
	v12 =	vadd.f32 v15, v12;
	v7 =	vld [tilespmem:s12+$0x3860]  }
0xb4: {  	v13 =	vmax.f32 v13, $0.0e+00;
	v6 =	vadd.f32 v6, v11;
	v11 =	vld [tilespmem:s12+$0x3870]  }
0xb5: {  	[tilespmem:s12+$0x3800] =	vst v13;
	v12 =	vmax.f32 v12, $0.0e+00;
	v5 =	vadd.f32 v5, v10  }
0xb6: {  	[tilespmem:s12+$0x3810] =	vst v12;
	v6 =	vmax.f32 v6, $0.0e+00;
	v4 =	vadd.f32 v4, v9  }
0xb7: {  	[tilespmem:s12+$0x3820] =	vst v6;
	v5 =	vmax.f32 v5, $0.0e+00;
	v3 =	vadd.f32 v3, v8  }
0xb8: {  	[tilespmem:s12+$0x3830] =	vst v5;
	v4 =	vmax.f32 v4, $0.0e+00;
	v2 =	vadd.f32 v2, v7  }
0xb9: {  	s25 =	sshll.u32 s16, $0x8;
	[tilespmem:s12+$0x3840] =	vst v4;
	v3 =	vmax.f32 v3, $0.0e+00;
	v1 =	vadd.f32 v1, v11  }
0xba: {  	s11 =	sadd.s32 $0x2, s11;
	s25 =	sand.u32 $0x3FFFFF00, s25;
	[tilespmem:s12+$0x3850] =	vst v3;
	v2 =	vmax.f32 v2, $0.0e+00  }
0xbb: {  	s29 =	sadd.s32 $0x1C00, s25;
	s25 =	sshll.u32 s11, $0x7;
	s11 =	sadd.s32 s3, s11;
	[tilespmem:s12+$0x3860] =	vst v2;
	v1 =	vmax.f32 v1, $0.0e+00  }
0xbc: {  	s11 =	smul.u32 $0x28, s11;
	[tilespmem:s12+$0x3870] =	vst v1  }
0xbd: {  	[spmem:s1] =	stream.indirect.scatter.add.f32 [tilespmem:s2], [sflag:$0x7], $0x80, s29, s13, $0xb8;
	[tilespmem:$0x1C080] =	vst v63  }
0xbe: {  	_ =	swait.ge [sflag:s22], $0x1400  }
0xbf: {  	s11 =	sadd.s32 s9, s11;
	[sflag:s22] =	ssyncset.done $0x0  }
0xc0: {  	s11 =	sshll.u32 s11, $0x4;
	s12 =	sand.u32 $0x3FFFFF80, s25;
	[sflag:s22] =	ssyncadd.s32 $0xFFFFEC00  }
0xc1: {  	[tilespmem:s2], [sflag:$0x1] =	stream.indirect.gather [hbm4b:s4+s13], $0x80, s12, s13, $0xb8;
	[tilespmem:$0x1C080] =	vst v63  }
0xc2: {  	s11 =	sadd.s32 s5, s11;
	s29 =	simm.s32 $0x0  }
0xc3: {  	[tilespmem:s17], [sflag:$0x3] =	stream.linear.gather [hbm4b:s11+s29], $0x1400, $0x38;
	[tilespmem:$0x1C080] =	vst v63  }
0xc4: {  	_ =	swait.ge [sflag:s23], $0x1400  }
0xc5: {  	[sflag:s23] =	ssyncset.done $0x0  }
0xc6: {  	[sflag:s23] =	ssyncadd.s32 $0xFFFFEC00  }
0xc7: {  	_ =	swait.ge [sflag:s24], $0x1400  }
0xc8: {  	[sflag:s24] =	ssyncset.done $0x0  }
0xc9: {  	s12 =	simm.s32 $0x0;
	[sflag:s24] =	ssyncadd.s32 $0xFFFFEC00  }
0xca: {  	v7 =	vld [tilespmem:s12+$0x7400]  }
0xcb: {  	v12 =	vld [tilespmem:s12+$0x7410]  }
0xcc: {  	v6 =	vld [tilespmem:s12+$0x7420]  }
0xcd: {  	v5 =	vld [tilespmem:s12+$0x7430]  }
0xce: {  	v4 =	vld [tilespmem:s12+$0x7440]  }
0xcf: {  	v3 =	vld [tilespmem:s12+$0x7450]  }
0xd0: {  	v2 =	vld [tilespmem:s12+$0x7460]  }
0xd1: {  	v1 =	vld [tilespmem:s12+$0x7470]  }
0xd2: {  	v13 =	vld [tilespmem:s12+$0x4C00]  }
0xd3: {  	v14 =	vld [tilespmem:s12+$0x4C10]  }
0xd4: {  	v11 =	vld [tilespmem:s12+$0x4C20]  }
0xd5: {  	v10 =	vld [tilespmem:s12+$0x4C30]  }
0xd6: {  	v9 =	vld [tilespmem:s12+$0x4C40]  }
0xd7: {  	v8 =	vld [tilespmem:s12+$0x4C50];
	v13 =	vadd.f32 v7, v13  }
0xd8: {  	s11 =	simm.s32 $0x200;
	v12 =	vadd.f32 v12, v14;
	v7 =	vld [tilespmem:s12+$0x4C60]  }
.LBB2_8:
0xd9: {  	s25 =	sshra.s32 s11, $0x2;
	p1 =	sne.s32 s11, $0x4E00;
	v13 =	vmax.f32 v13, $0.0e+00;
	v6 =	vadd.f32 v6, v11;
	v11 =	vld [tilespmem:s12+$0x4C70]  }
0xda: {  	v14 =	vld [tilespmem:s25+$0x7400];
	[tilespmem:s12+$0x4C00] =	vst v13;
	v12 =	vmax.f32 v12, $0.0e+00;
	v5 =	vadd.f32 v5, v10  }
0xdb: {  	v15 =	vld [tilespmem:s25+$0x7410];
	[tilespmem:s12+$0x4C10] =	vst v12;
	v10 =	vmax.f32 v6, $0.0e+00;
	v4 =	vadd.f32 v4, v9  }
0xdc: {  	v6 =	vld [tilespmem:s25+$0x7420];
	[tilespmem:s12+$0x4C20] =	vst v10;
	v9 =	vmax.f32 v5, $0.0e+00;
	v3 =	vadd.f32 v3, v8  }
0xdd: {  	v5 =	vld [tilespmem:s25+$0x7430];
	[tilespmem:s12+$0x4C30] =	vst v9;
	v8 =	vmax.f32 v4, $0.0e+00;
	v2 =	vadd.f32 v2, v7  }
0xde: {  	v4 =	vld [tilespmem:s25+$0x7440];
	[tilespmem:s12+$0x4C40] =	vst v8;
	v7 =	vmax.f32 v3, $0.0e+00;
	v1 =	vadd.f32 v1, v11  }
0xdf: {  	v3 =	vld [tilespmem:s25+$0x7450];
	[tilespmem:s12+$0x4C50] =	vst v7;
	v7 =	vmax.f32 v2, $0.0e+00  }
0xe0: {  	v2 =	vld [tilespmem:s25+$0x7460];
	[tilespmem:s12+$0x4C60] =	vst v7;
	v7 =	vmax.f32 v1, $0.0e+00  }
0xe1: {  	v1 =	vld [tilespmem:s25+$0x7470];
	[tilespmem:s12+$0x4C70] =	vst v7;
	s12 =	smov.u32 s25  }
0xe2: {  	v7 =	vld [tilespmem:s12+$0x4C00]  }
0xe3: {  	v12 =	vld [tilespmem:s12+$0x4C10]  }
.Ltmp2:
0xe4: {  	v11 =	vld [tilespmem:s12+$0x4C20];
	(pc) =	sbr.rel @p1 .LBB2_8-.Ltmp2, $4  }
0xe5: {  	v10 =	vld [tilespmem:s12+$0x4C30]  }
0xe6: {  	v9 =	vld [tilespmem:s12+$0x4C40]  }
0xe7: {  	v13 =	vadd.f32 v14, v7;
	v8 =	vld [tilespmem:s12+$0x4C50]  }
0xe8: {  	s11 =	sadd.s32 $0x200, s11;
	v12 =	vadd.f32 v15, v12;
	v7 =	vld [tilespmem:s12+$0x4C60]  }
0xe9: {  	v13 =	vmax.f32 v13, $0.0e+00;
	v6 =	vadd.f32 v6, v11;
	v63 =	vld [tilespmem:s12+$0x4C70]  }
0xea: {  	[tilespmem:s12+$0x4C00] =	vst v13;
	v12 =	vmax.f32 v12, $0.0e+00;
	v5 =	vadd.f32 v5, v10  }
0xeb: {  	[tilespmem:s12+$0x4C10] =	vst v12;
	v6 =	vmax.f32 v6, $0.0e+00;
	v4 =	vadd.f32 v4, v9  }
0xec: {  	[tilespmem:s12+$0x4C20] =	vst v6;
	v5 =	vmax.f32 v5, $0.0e+00;
	v3 =	vadd.f32 v3, v8  }
0xed: {  	[tilespmem:s12+$0x4C30] =	vst v5;
	v4 =	vmax.f32 v4, $0.0e+00;
	v2 =	vadd.f32 v2, v7  }
0xee: {  	[tilespmem:s12+$0x4C40] =	vst v4;
	v3 =	vmax.f32 v3, $0.0e+00;
	v1 =	vadd.f32 v1, v63  }
0xef: {  	s16 =	sadd.s32 $0x1, s16;
	[tilespmem:s12+$0x4C50] =	vst v3;
	v2 =	vmax.f32 v2, $0.0e+00  }
0xf0: {  	p1 =	sne.s32 s16, $0x18;
	[tilespmem:s12+$0x4C60] =	vst v2;
	v1 =	vmax.f32 v1, $0.0e+00  }
.Ltmp3:
0xf1: {  	s11 =	sadd.s32 $0x1C00, s14;
	[tilespmem:s12+$0x4C70] =	vst v1;
	(pc) =	sbr.rel @p1 .LBB2_5-.Ltmp3, $4  }
0xf2: {  	[spmem:s1] =	stream.indirect.scatter.add.f32 [tilespmem:s18], [sflag:$0x7], $0x80, s11, s13, $0xb8;
	[tilespmem:$0x1C080] =	vst v63  }
0xf3: {  	_ =	swait.ge [sflag:s22], $0x1400  }
0xf4: {  	[sflag:s22] =	ssyncset.done $0x0  }
0xf5: {  	[sflag:s22] =	ssyncadd.s32 $0xFFFFEC00  }
0xf6: {  	s3 =	simm.s32 $0x1880;
	s0 =	sadd.s32 s0, s15  }
0xf7: {  	[tilespmem:s18], [sflag:$0x2] =	stream.indirect.gather [hbm4b:s4+s13], $0x80, s3, s13, $0xb8;
	[tilespmem:$0x1C080] =	vst v63  }
0xf8: {  	s0 =	sshll.u32 s0, $0x4  }
0xf9: {  	s29 =	simm.s32 $0x0;
	s0 =	sadd.s32 s5, s0  }
0xfa: {  	[tilespmem:s19], [sflag:$0x4] =	stream.linear.gather [hbm4b:s0+s29], $0x1400, $0x38;
	[tilespmem:$0x1C080] =	vst v63  }
0xfb: {  	_ =	swait.ge [sflag:s20], $0x1400  }
0xfc: {  	[sflag:s20] =	ssyncset.done $0x0  }
0xfd: {  	[sflag:s20] =	ssyncadd.s32 $0xFFFFEC00  }
0xfe: {  	_ =	swait.ge [sflag:s21], $0x1400  }
0xff: {  	[sflag:s21] =	ssyncset.done $0x0  }
0x100: {  	s0 =	simm.s32 $0x0;
	[sflag:s21] =	ssyncadd.s32 $0xFFFFEC00  }
0x101: {  	v7 =	vld [tilespmem:s0+$0x6000]  }
0x102: {  	v12 =	vld [tilespmem:s0+$0x6010]  }
0x103: {  	v6 =	vld [tilespmem:s0+$0x6020]  }
0x104: {  	v5 =	vld [tilespmem:s0+$0x6030]  }
0x105: {  	v4 =	vld [tilespmem:s0+$0x6040]  }
0x106: {  	v3 =	vld [tilespmem:s0+$0x6050]  }
0x107: {  	v2 =	vld [tilespmem:s0+$0x6060]  }
0x108: {  	v1 =	vld [tilespmem:s0+$0x6070]  }
0x109: {  	v13 =	vld [tilespmem:s0+$0x3800]  }
0x10a: {  	v14 =	vld [tilespmem:s0+$0x3810]  }
0x10b: {  	v11 =	vld [tilespmem:s0+$0x3820]  }
0x10c: {  	v10 =	vld [tilespmem:s0+$0x3830]  }
0x10d: {  	v9 =	vld [tilespmem:s0+$0x3840]  }
0x10e: {  	v8 =	vld [tilespmem:s0+$0x3850];
	v13 =	vadd.f32 v7, v13  }
0x10f: {  	s3 =	simm.s32 $0x200;
	v12 =	vadd.f32 v12, v14;
	v7 =	vld [tilespmem:s0+$0x3860]  }
.LBB2_11:
0x110: {  	s11 =	sshra.s32 s3, $0x2;
	p1 =	sne.s32 s3, $0x4E00;
	v13 =	vmax.f32 v13, $0.0e+00;
	v6 =	vadd.f32 v6, v11;
	v11 =	vld [tilespmem:s0+$0x3870]  }
0x111: {  	v14 =	vld [tilespmem:s11+$0x6000];
	[tilespmem:s0+$0x3800] =	vst v13;
	v12 =	vmax.f32 v12, $0.0e+00;
	v5 =	vadd.f32 v5, v10  }
0x112: {  	v15 =	vld [tilespmem:s11+$0x6010];
	[tilespmem:s0+$0x3810] =	vst v12;
	v10 =	vmax.f32 v6, $0.0e+00;
	v4 =	vadd.f32 v4, v9  }
0x113: {  	v6 =	vld [tilespmem:s11+$0x6020];
	[tilespmem:s0+$0x3820] =	vst v10;
	v9 =	vmax.f32 v5, $0.0e+00;
	v3 =	vadd.f32 v3, v8  }
0x114: {  	v5 =	vld [tilespmem:s11+$0x6030];
	[tilespmem:s0+$0x3830] =	vst v9;
	v8 =	vmax.f32 v4, $0.0e+00;
	v2 =	vadd.f32 v2, v7  }
0x115: {  	v4 =	vld [tilespmem:s11+$0x6040];
	[tilespmem:s0+$0x3840] =	vst v8;
	v7 =	vmax.f32 v3, $0.0e+00;
	v1 =	vadd.f32 v1, v11  }
0x116: {  	v3 =	vld [tilespmem:s11+$0x6050];
	[tilespmem:s0+$0x3850] =	vst v7;
	v7 =	vmax.f32 v2, $0.0e+00  }
0x117: {  	v2 =	vld [tilespmem:s11+$0x6060];
	[tilespmem:s0+$0x3860] =	vst v7;
	v7 =	vmax.f32 v1, $0.0e+00  }
0x118: {  	v1 =	vld [tilespmem:s11+$0x6070];
	[tilespmem:s0+$0x3870] =	vst v7;
	s0 =	smov.u32 s11  }
0x119: {  	v7 =	vld [tilespmem:s0+$0x3800]  }
0x11a: {  	v12 =	vld [tilespmem:s0+$0x3810]  }
.Ltmp4:
0x11b: {  	v11 =	vld [tilespmem:s0+$0x3820];
	(pc) =	sbr.rel @p1 .LBB2_11-.Ltmp4, $4  }
0x11c: {  	v10 =	vld [tilespmem:s0+$0x3830]  }
0x11d: {  	v9 =	vld [tilespmem:s0+$0x3840]  }
0x11e: {  	v13 =	vadd.f32 v14, v7;
	v8 =	vld [tilespmem:s0+$0x3850]  }
0x11f: {  	s3 =	sadd.s32 $0x200, s3;
	v12 =	vadd.f32 v15, v12;
	v7 =	vld [tilespmem:s0+$0x3860]  }
0x120: {  	v13 =	vmax.f32 v13, $0.0e+00;
	v6 =	vadd.f32 v6, v11;
	v11 =	vld [tilespmem:s0+$0x3870]  }
0x121: {  	[tilespmem:s0+$0x3800] =	vst v13;
	v12 =	vmax.f32 v12, $0.0e+00;
	v5 =	vadd.f32 v5, v10  }
0x122: {  	[tilespmem:s0+$0x3810] =	vst v12;
	v6 =	vmax.f32 v6, $0.0e+00;
	v4 =	vadd.f32 v4, v9  }
0x123: {  	[tilespmem:s0+$0x3820] =	vst v6;
	v5 =	vmax.f32 v5, $0.0e+00;
	v3 =	vadd.f32 v3, v8  }
0x124: {  	[tilespmem:s0+$0x3830] =	vst v5;
	v4 =	vmax.f32 v4, $0.0e+00;
	v2 =	vadd.f32 v2, v7  }
0x125: {  	[tilespmem:s0+$0x3840] =	vst v4;
	v3 =	vmax.f32 v3, $0.0e+00;
	v1 =	vadd.f32 v1, v11  }
0x126: {  	[tilespmem:s0+$0x3850] =	vst v3;
	v2 =	vmax.f32 v2, $0.0e+00  }
0x127: {  	[tilespmem:s0+$0x3860] =	vst v2;
	v1 =	vmax.f32 v1, $0.0e+00  }
0x128: {  	[tilespmem:s0+$0x3870] =	vst v1  }
0x129: {  	[spmem:s1] =	stream.indirect.scatter.add.f32 [tilespmem:s2], [sflag:$0x7], $0x80, s26, s13, $0xb8;
	[tilespmem:$0x1C080] =	vst v63  }
0x12a: {  	_ =	swait.ge [sflag:s22], $0x1400  }
0x12b: {  	[sflag:s22] =	ssyncset.done $0x0  }
0x12c: {  	[sflag:s22] =	ssyncadd.s32 $0xFFFFEC00  }
0x12d: {  	_ =	swait.ge [sflag:s23], $0x1400  }
0x12e: {  	[sflag:s23] =	ssyncset.done $0x0  }
0x12f: {  	[sflag:s23] =	ssyncadd.s32 $0xFFFFEC00  }
0x130: {  	_ =	swait.ge [sflag:s24], $0x1400  }
0x131: {  	[sflag:s24] =	ssyncset.done $0x0  }
0x132: {  	s0 =	simm.s32 $0x0;
	[sflag:s24] =	ssyncadd.s32 $0xFFFFEC00  }
0x133: {  	v7 =	vld [tilespmem:s0+$0x7400]  }
0x134: {  	v12 =	vld [tilespmem:s0+$0x7410]  }
0x135: {  	v6 =	vld [tilespmem:s0+$0x7420]  }
0x136: {  	v5 =	vld [tilespmem:s0+$0x7430]  }
0x137: {  	v4 =	vld [tilespmem:s0+$0x7440]  }
0x138: {  	v3 =	vld [tilespmem:s0+$0x7450]  }
0x139: {  	v2 =	vld [tilespmem:s0+$0x7460]  }
0x13a: {  	v1 =	vld [tilespmem:s0+$0x7470]  }
0x13b: {  	v13 =	vld [tilespmem:s0+$0x4C00]  }
0x13c: {  	v14 =	vld [tilespmem:s0+$0x4C10]  }
0x13d: {  	v11 =	vld [tilespmem:s0+$0x4C20]  }
0x13e: {  	v10 =	vld [tilespmem:s0+$0x4C30]  }
0x13f: {  	v9 =	vld [tilespmem:s0+$0x4C40]  }
0x140: {  	v8 =	vld [tilespmem:s0+$0x4C50];
	v13 =	vadd.f32 v7, v13  }
0x141: {  	s3 =	simm.s32 $0x200;
	v12 =	vadd.f32 v12, v14;
	v7 =	vld [tilespmem:s0+$0x4C60]  }
.LBB2_13:
0x142: {  	s11 =	sshra.s32 s3, $0x2;
	p1 =	sne.s32 s3, $0x4E00;
	v13 =	vmax.f32 v13, $0.0e+00;
	v6 =	vadd.f32 v6, v11;
	v11 =	vld [tilespmem:s0+$0x4C70]  }
0x143: {  	v14 =	vld [tilespmem:s11+$0x7400];
	[tilespmem:s0+$0x4C00] =	vst v13;
	v12 =	vmax.f32 v12, $0.0e+00;
	v5 =	vadd.f32 v5, v10  }
0x144: {  	v15 =	vld [tilespmem:s11+$0x7410];
	[tilespmem:s0+$0x4C10] =	vst v12;
	v10 =	vmax.f32 v6, $0.0e+00;
	v4 =	vadd.f32 v4, v9  }
0x145: {  	v6 =	vld [tilespmem:s11+$0x7420];
	[tilespmem:s0+$0x4C20] =	vst v10;
	v9 =	vmax.f32 v5, $0.0e+00;
	v3 =	vadd.f32 v3, v8  }
0x146: {  	v5 =	vld [tilespmem:s11+$0x7430];
	[tilespmem:s0+$0x4C30] =	vst v9;
	v8 =	vmax.f32 v4, $0.0e+00;
	v2 =	vadd.f32 v2, v7  }
0x147: {  	v4 =	vld [tilespmem:s11+$0x7440];
	[tilespmem:s0+$0x4C40] =	vst v8;
	v7 =	vmax.f32 v3, $0.0e+00;
	v1 =	vadd.f32 v1, v11  }
0x148: {  	v3 =	vld [tilespmem:s11+$0x7450];
	[tilespmem:s0+$0x4C50] =	vst v7;
	v7 =	vmax.f32 v2, $0.0e+00  }
0x149: {  	v2 =	vld [tilespmem:s11+$0x7460];
	[tilespmem:s0+$0x4C60] =	vst v7;
	v7 =	vmax.f32 v1, $0.0e+00  }
0x14a: {  	v1 =	vld [tilespmem:s11+$0x7470];
	[tilespmem:s0+$0x4C70] =	vst v7;
	s0 =	smov.u32 s11  }
0x14b: {  	v7 =	vld [tilespmem:s0+$0x4C00]  }
0x14c: {  	v12 =	vld [tilespmem:s0+$0x4C10]  }
.Ltmp5:
0x14d: {  	v11 =	vld [tilespmem:s0+$0x4C20];
	(pc) =	sbr.rel @p1 .LBB2_13-.Ltmp5, $4  }
0x14e: {  	v10 =	vld [tilespmem:s0+$0x4C30]  }
0x14f: {  	v9 =	vld [tilespmem:s0+$0x4C40]  }
0x150: {  	v13 =	vadd.f32 v14, v7;
	v8 =	vld [tilespmem:s0+$0x4C50]  }
0x151: {  	s3 =	sadd.s32 $0x200, s3;
	v12 =	vadd.f32 v15, v12;
	v7 =	vld [tilespmem:s0+$0x4C60]  }
0x152: {  	v13 =	vmax.f32 v13, $0.0e+00;
	v6 =	vadd.f32 v6, v11;
	v63 =	vld [tilespmem:s0+$0x4C70]  }
0x153: {  	[tilespmem:s0+$0x4C00] =	vst v13;
	v12 =	vmax.f32 v12, $0.0e+00;
	v5 =	vadd.f32 v5, v10  }
0x154: {  	[tilespmem:s0+$0x4C10] =	vst v12;
	v6 =	vmax.f32 v6, $0.0e+00;
	v4 =	vadd.f32 v4, v9  }
0x155: {  	[tilespmem:s0+$0x4C20] =	vst v6;
	v5 =	vmax.f32 v5, $0.0e+00;
	v3 =	vadd.f32 v3, v8  }
0x156: {  	[tilespmem:s0+$0x4C30] =	vst v5;
	v4 =	vmax.f32 v4, $0.0e+00;
	v2 =	vadd.f32 v2, v7  }
0x157: {  	[tilespmem:s0+$0x4C40] =	vst v4;
	v3 =	vmax.f32 v3, $0.0e+00;
	v1 =	vadd.f32 v1, v63  }
0x158: {  	p1 =	seq.s32 s31, $0x4;
	[tilespmem:s0+$0x4C50] =	vst v3;
	v2 =	vmax.f32 v2, $0.0e+00  }
0x159: {  	s31 =	sadd.s32 @!p1 $0x1, s31;
	[tilespmem:s0+$0x4C60] =	vst v2;
	v1 =	vmax.f32 v1, $0.0e+00  }
0x15a: {  	[tilespmem:s0+$0x4C70] =	vst v1;
	s0 =	smul.u32 @!p1 $0x1C00, s31  }
0x15b: {  	[spmem:s1] =	stream.indirect.scatter.add.f32 [tilespmem:s18], [sflag:$0x7], $0x80, s28, s13, $0xb8;
	[tilespmem:$0x1C080] =	vst v63  }
0x15c: {  	_ =	swait.ge [sflag:s22], $0x1400;
	s0 =	sadd.s32 @!p1 s6, s0  }
0x15d: {  	[sflag:s22] =	ssyncset.done $0x0;
	s0 =	sshrl.u32 @!p1 s0, $0x3  }
0x15e: {  	s11 =	simm.s32 @!p1 $0x0;
	[sflag:s22] =	ssyncadd.s32 $0xFFFFEC00;
	s3 =	sadd.s32 @!p1 s7, s0  }
0x15f: {  	[tilespmem:s11], [sflag:$0x7] =	stream.linear.gather @!p1 [hbm4b:s3+s11], $0x1900, $0x38;
	[tilespmem:$0x1C080] =	vst v63  }
0x160: {  	s3 =	simm.s32 @!p1 $0x7  }
0x161: {  	p2 =	sne.s32 @!p1 s31, $0x5;
	_ =	swait.ge @!p1 [sflag:s3], $0x1900  }
0x162: {  	p2 =	por p1, !p2;
	[sflag:s3] =	ssyncset.done @!p1 $0x0  }
0x163: {  	s0 =	sadd.s32 @!p1 s8, s0;
	[sflag:s3] =	ssyncadd.s32 @!p1 $0xFFFFE700;
	s3 =	simm.s32 @!p1 $0x1C00  }
0x164: {  	[tilespmem:s3], [sflag:$0x6] =	stream.linear.gather @!p1 [hbm4b:s0+s11], $0x1900, $0x38;
	[tilespmem:$0x1C080] =	vst v63  }
.Ltmp6:
0x165: {  	_ = 	snop;
	(pc) =	sbr.rel @!p2 .LBB2_4-.Ltmp6, $4  }
0x166: {  	s0 =	simm.s32 @!p1 $0x6  }
0x167: {  	_ =	swait.ge @!p1 [sflag:s0], $0x1900  }
0x168: {  	[sflag:s0] =	ssyncset.done @!p1 $0x0  }
0x169: {  	[sflag:s0] =	ssyncadd.s32 @!p1 $0xFFFFE700  }
0x16a: {  	s0 =	stileid.u32;
	[bflag:$0x0] =	sbarrier.arrive $0xFFFF  }
0x16b: {  	s0 =	sshll.u32 s0, $0x6;
	s14 =	rddreg [dreg:$0x5]  }
0x16c: {  	s11 =	rddreg [dreg:$0x11];
	s0 =	sor.u32 $0x1C06, s0;
	s3 =	sshrl.u32 s14, $0x3  }
0x16d: {  	[hbm:s11], [sflag:s0] =	dma.local [spmem:s3], $0x2700  }
0x16e: {  	_ =	swait.ge [sflag:s10], $0x2700  }
0x16f: {  	s3 =	rddreg [dreg:$0x8]  }
0x170: {  	[sflag:s10] =	ssyncset.done $0x0;
	s16 =	rddreg [dreg:$0x7]  }
0x171: {  	[sflag:s10] =	ssyncadd.s32 $0xFFFFD900;
	s3 =	sadd.s32 @!p0 $0x27000, s3;
	s11 =	sshrl.u32 @!p0 s16, $0x3  }
0x172: {  	[hbm:s3], [sflag:s0] =	dma.local @!p0 [spmem:s11], $0x100  }
0x173: {  	s0 =	simm.s32 @!p0 $0x6  }
0x174: {  	_ =	swait.ge @!p0 [sflag:s0], $0x100  }
0x175: {  	s29 =	rddreg [dreg:$0x19]  }
0x176: {  	s31 =	rddreg [dreg:$0x9];
	s11 =	sadd.s32 $0x1, s29  }
0x177: {  	p1 =	sne.s32 s11, s31  }
.Ltmp7:
0x178: {  	_ = 	snop;
	(pc) =	sbr.rel @p1 .LBB2_1-.Ltmp7, $3  }
0x179: {  	_ =	sdelay $0x1  }
0x17a: {  	[sflag:s0] =	ssyncset.done @!p0 $0x0  }
0x17b: {  	[sflag:s0] =	ssyncadd.s32 @!p0 $0xFFFFFF00  }
0x17c: {  	_ =	sfence.sel $0x180000  }
0x17d: {  	[bflag:$0x0] =	sbarrier.arrive $0xFFFF  }
0x17e: {  	_ =	strace $0x90000047  }
0x17f: {  	s0 =	stileid.u32;
	[bflag:$0x2] =	sbarrier.arrive $0xFFFF  }
0x180: {  	p0 =	sne.s32 s0, $0x0;
	s0 =	rddreg [dreg:$0x2]  }
0x181: {  	s0 =	sadd.s32 @!p0 $0x100000, s0  }
0x182: {  	[sflag:s0] =	ssyncadd.tile.s32 @!p0 $0x1;
	_ =	shalt  }
.Lfunc_end2:
_tile_overlayer_lowered:
.L_overlay_start_2:
0x183: {  	(tag) =	ssettag $0x2  }
0x184: {  	s0 =	rddreg [dreg:$0x0];
	s2 =	stileid.u32  }
0x185: {  	s1 =	rddreg [dreg:$0x1];
	p0 =	sne.s32 s2, $0x0  }
0x186: {  	s3 =	rddreg [dreg:$0x2];
	[bflag:$0x3] =	sbarrier.arrive $0xFFFF;
	s2 =	simm.s32 @!p0 $0x1C06  }
0x187: {  	[timem:s3], [sflag:s2] =	dma.local @!p0 [hbm:s0], s1  }
0x188: {  	s0 =	simm.s32 @!p0 $0x6  }
0x189: {  	_ =	swait.ge @!p0 [sflag:s0], s1  }
0x18a: {  	s1 =	ssub.s32 @!p0 $0x0, s1;
	[sflag:s0] =	ssyncset.done @!p0 $0x0  }
0x18b: {  	[sflag:s0] =	ssyncadd.s32 @!p0 s1  }
0x18c: {  	[bflag:$0x3] =	sbarrier.arrive $0xFFFF  }
0x18d: {  	_ =	shalt  }

</sc_bundles>
